<compile_context>
chip_gen: v7x
topology: tpu7x:2x2x1
jax: 0.10.2.dev20260603
libtpu: 0.0.44.dev20260713+nightly
codegen_flags: <defaults>
</compile_context>

<pallas_src>
import functools

import jax
import jax.numpy as jnp
from jax import lax
from jax.experimental import pallas as pl
from jax.experimental.pallas import tpu as pltpu
from jax.experimental.pallas import tpu_sc as plsc

NN = 10000
EE = 320000
DIN = 128
DHID = 64
DOUT = 128

NTILES = 16
CHUNK = 128
NBUF = 2
CPT = 158
CPR = 160
NPAIR = CPT // 2
ACC_ROWS = 10240

_mesh = plsc.VectorSubcoreMesh(core_axis_name="c", subcore_axis_name="s")
_sc_params = pltpu.CompilerParams(use_tc_tiling_on_sc=False)



DEGW = 8


@functools.partial(
    pl.kernel,
    mesh=_mesh,
    compiler_params=_sc_params,
    out_type=jax.ShapeDtypeStruct((2 * NN, DEGW), jnp.float32),
    scratch_types=[
        pltpu.VMEM((CPR, CHUNK), jnp.int32),
        pltpu.VMEM((CHUNK, DEGW), jnp.float32),
        pltpu.VMEM_SHARED((ACC_ROWS, DEGW), jnp.float32),
    ],
)
def _deg_kernel(dst_hbm, ones_hbm, deg_hbm, dst_v, ones_v, acc):
    c = lax.axis_index("c")
    s = lax.axis_index("s")
    pltpu.sync_copy(ones_hbm, acc.at[pl.ds(s * 640, 640)])
    pltpu.sync_copy(dst_hbm.at[c, s], dst_v)
    pltpu.sync_copy(ones_hbm.at[pl.ds(0, CHUNK)], ones_v)
    plsc.subcore_barrier()

    def body(j, carry):
        pltpu.sync_copy(ones_v, acc.at[dst_v.at[j]], add=True)
        return carry

    lax.fori_loop(0, CPT, body, 0)
    plsc.subcore_barrier()

    @pl.when(s < NTILES - 1)
    def _():
        pltpu.sync_copy(acc.at[pl.ds(s * 640, 640)],
                        deg_hbm.at[pl.ds(c * NN + s * 640, 640)])

    @pl.when(s == NTILES - 1)
    def _():
        pltpu.sync_copy(acc.at[pl.ds(9600, 400)],
                        deg_hbm.at[pl.ds(c * NN + 9600, 400)])


@functools.partial(
    pl.kernel,
    mesh=_mesh,
    compiler_params=_sc_params,
    out_type=jax.ShapeDtypeStruct((2 * NN, DHID), jnp.float32),
    scratch_types=[
        pltpu.VMEM((CPR, CHUNK), jnp.int32),
        pltpu.VMEM((CPR, CHUNK), jnp.int32),
        [pltpu.VMEM((CHUNK, DHID), jnp.float32)] * NBUF,
        pltpu.VMEM_SHARED((ACC_ROWS, DHID), jnp.float32),
        [pltpu.SemaphoreType.DMA] * NBUF,
    ],
)
def _agg_kernel(vt_hbm, src_hbm, dst_hbm, zrows_hbm, out_hbm,
                src_v, dst_v, gbs, acc, gsems):
    c = lax.axis_index("c")
    s = lax.axis_index("s")
    pltpu.sync_copy(zrows_hbm, acc.at[pl.ds(s * 640, 640)])
    pltpu.sync_copy(src_hbm.at[c, s], src_v)
    pltpu.sync_copy(dst_hbm.at[c, s], dst_v)
    plsc.subcore_barrier()

    gb0, gb1 = gbs
    sem0, sem1 = gsems
    pltpu.async_copy(vt_hbm.at[src_v.at[0]], gb0, sem0)

    def body(i, carry):
        j = 2 * i
        pltpu.async_copy(vt_hbm.at[src_v.at[j + 1]], gb1, sem1)
        pltpu.make_async_copy(vt_hbm.at[src_v.at[0]], gb0, sem0).wait()
        pltpu.sync_copy(gb0, acc.at[dst_v.at[j]], add=True)
        pltpu.async_copy(vt_hbm.at[src_v.at[j + 2]], gb0, sem0)
        pltpu.make_async_copy(vt_hbm.at[src_v.at[0]], gb1, sem1).wait()
        pltpu.sync_copy(gb1, acc.at[dst_v.at[j + 1]], add=True)
        return carry

    lax.fori_loop(0, NPAIR, body, 0)
    pltpu.make_async_copy(vt_hbm.at[src_v.at[0]], gb0, sem0).wait()
    plsc.subcore_barrier()

    @pl.when(s < NTILES - 1)
    def _():
        pltpu.sync_copy(acc.at[pl.ds(s * 640, 640)],
                        out_hbm.at[pl.ds(c * NN + s * 640, 640)])

    @pl.when(s == NTILES - 1)
    def _():
        pltpu.sync_copy(acc.at[pl.ds(9600, 400)],
                        out_hbm.at[pl.ds(c * NN + 9600, 400)])



_BA = 2000


def _stage_a_body(x_ref, w_ref, deg_ref, o_ref):
    dinv = lax.rsqrt(deg_ref[...])
    xw = jnp.dot(x_ref[...], w_ref[...], preferred_element_type=jnp.float32)
    o_ref[...] = xw * dinv


def _stage_b_body(s_ref, v_ref, deg_ref, b_ref, o_ref):
    dinv = lax.rsqrt(deg_ref[...])
    z = dinv * (s_ref[...] + v_ref[...]) + b_ref[...]
    h = jnp.where(z > 0, z, jnp.exp(z) - 1.0)
    o_ref[...] = dinv * h


def _stage_c_body(s_ref, v_ref, deg_ref, w_ref, b_ref, o_ref):
    dinv = lax.rsqrt(deg_ref[...])
    agg = dinv * (s_ref[...] + v_ref[...])
    z = jnp.dot(agg, w_ref[...], preferred_element_type=jnp.float32) + b_ref[...]
    o_ref[...] = jnp.where(z > 0, z, jnp.exp(z) - 1.0)


def _stage_a(xs, ws, degs):
    return pl.pallas_call(
        _stage_a_body,
        grid=(2, NN // _BA),
        in_specs=[
            pl.BlockSpec((None, _BA, DIN), lambda g, i: (g, i, 0)),
            pl.BlockSpec((None, DIN, DHID), lambda g, i: (g, 0, 0)),
            pl.BlockSpec((None, _BA, 1), lambda g, i: (g, i, 0)),
        ],
        out_specs=pl.BlockSpec((None, _BA, DHID), lambda g, i: (g, i, 0)),
        out_shape=jax.ShapeDtypeStruct((2, NN, DHID), jnp.float32),
    )(xs, ws, degs)


def _stage_b(s1, vt1, degs, bs):
    return pl.pallas_call(
        _stage_b_body,
        grid=(2, NN // _BA),
        in_specs=[
            pl.BlockSpec((None, _BA, DHID), lambda g, i: (g, i, 0)),
            pl.BlockSpec((None, _BA, DHID), lambda g, i: (g, i, 0)),
            pl.BlockSpec((None, _BA, 1), lambda g, i: (g, i, 0)),
            pl.BlockSpec((None, 1, DHID), lambda g, i: (g, 0, 0)),
        ],
        out_specs=pl.BlockSpec((None, _BA, DHID), lambda g, i: (g, i, 0)),
        out_shape=jax.ShapeDtypeStruct((2, NN, DHID), jnp.float32),
    )(s1, vt1, degs, bs)


def _stage_c(s2, vt2, degs, ws, bs):
    return pl.pallas_call(
        _stage_c_body,
        grid=(2, NN // _BA),
        in_specs=[
            pl.BlockSpec((None, _BA, DHID), lambda g, i: (g, i, 0)),
            pl.BlockSpec((None, _BA, DHID), lambda g, i: (g, i, 0)),
            pl.BlockSpec((None, _BA, 1), lambda g, i: (g, i, 0)),
            pl.BlockSpec((None, DHID, DOUT), lambda g, i: (g, 0, 0)),
            pl.BlockSpec((None, 1, DOUT), lambda g, i: (g, 0, 0)),
        ],
        out_specs=pl.BlockSpec((None, _BA, DOUT), lambda g, i: (g, i, 0)),
        out_shape=jax.ShapeDtypeStruct((2, NN, DOUT), jnp.float32),
    )(s2, vt2, degs, ws, bs)



def kernel(x0, edge_index0, x1, edge_index1,
           W1_0, b1_0, W2_0, b2_0, W1_1, b1_1, W2_1, b2_1):
    xs = jnp.stack([x0, x1])
    w1 = jnp.stack([W1_0, W1_1])
    w2 = jnp.stack([W2_0, W2_1])
    b1 = jnp.stack([b1_0, b1_1])[:, None, :]
    b2 = jnp.stack([b2_0, b2_1])[:, None, :]

    pad = NTILES * CPT * CHUNK - EE

    def prep(ei, g):
        src = jnp.concatenate(
            [ei[0] + g * NN, jnp.full((pad,), g * NN, jnp.int32)])
        dst = jnp.concatenate([ei[1], jnp.full((pad,), NN, jnp.int32)])
        src = src.reshape(NTILES, CPT, CHUNK)
        dst = dst.reshape(NTILES, CPT, CHUNK)
        dummy_s = jnp.full((NTILES, CPR - CPT, CHUNK), g * NN, jnp.int32)
        dummy_d = jnp.full((NTILES, CPR - CPT, CHUNK), NN, jnp.int32)
        return (jnp.concatenate([src, dummy_s], axis=1),
                jnp.concatenate([dst, dummy_d], axis=1))

    s0, d0 = prep(edge_index0, 0)
    s1e, d1e = prep(edge_index1, 1)
    srcs = jnp.stack([s0, s1e])
    dsts = jnp.stack([d0, d1e])

    ones640 = jnp.ones((640, DEGW), jnp.float32)
    zrows = jnp.zeros((640, DHID), jnp.float32)

    deg = _deg_kernel(dsts, ones640)[:, :1].reshape(2, NN, 1)
    vt1 = _stage_a(xs, w1, deg)
    s1 = _agg_kernel(vt1.reshape(2 * NN, DHID), srcs, dsts, zrows)
    vt2 = _stage_b(s1.reshape(2, NN, DHID), vt1, deg, b1)
    s2 = _agg_kernel(vt2.reshape(2 * NN, DHID), srcs, dsts, zrows)
    out = _stage_c(s2.reshape(2, NN, DHID), vt2, deg, w2, b2)
    return out.reshape(2 * NN, DOUT)

# --- scband reference (transcript-rebuilt; emitter-appended) ---
"""Pipeline reference for scband-multi-graph-gcn-11510512354046 (READ-ONLY COPY).

The authoritative reference and input builder live on the scoring server;
editing this copy changes nothing except your own understanding.
"""

import jax, jax.numpy as jnp
import numpy as np

N = 10000
E = 320000
D_IN = 128
D_HID = 64
D_OUT = 128


def _glorot(key, shape):
    fan_in, fan_out = shape
    lim = float(np.sqrt(6.0 / (fan_in + fan_out)))
    return jax.random.uniform(key, shape, dtype=jnp.float32, minval=-lim, maxval=lim)


def gcn_conv(x, edge_index, W, b):
    # Faithful PyG GCNConv: add self-loops, symmetric deg^{-1/2} normalization,
    # gather source features, scatter-add into destination nodes, add bias.
    n = x.shape[0]
    loop = jnp.arange(n, dtype=edge_index.dtype)
    src = jnp.concatenate([edge_index[0], loop])
    dst = jnp.concatenate([edge_index[1], loop])
    deg = jnp.zeros((n,), dtype=x.dtype).at[dst].add(1.0)
    dinv = jnp.where(deg > 0, deg ** -0.5, 0.0)
    norm = dinv[src] * dinv[dst]
    xw = x @ W
    msg = xw[src] * norm[:, None]
    out = jnp.zeros((n, W.shape[1]), dtype=x.dtype).at[dst].add(msg)
    return out + b


def setup_inputs(seed: int = 0) -> dict:
    key = jax.random.key(seed)
    ks = jax.random.split(key, 12)
    inp = {}
    inp["x0"] = jax.random.normal(ks[0], (N, D_IN), dtype=jnp.float32)
    inp["edge_index0"] = jax.random.randint(ks[1], (2, E), 0, N, dtype=jnp.int32)
    inp["x1"] = jax.random.normal(ks[2], (N, D_IN), dtype=jnp.float32)
    inp["edge_index1"] = jax.random.randint(ks[3], (2, E), 0, N, dtype=jnp.int32)
    # learned parameters: 2 GCN layers per graph, 2 graphs
    inp["W1_0"] = _glorot(ks[4], (D_IN, D_HID))
    inp["b1_0"] = jnp.zeros((D_HID,), dtype=jnp.float32)
    inp["W2_0"] = _glorot(ks[5], (D_HID, D_OUT))
    inp["b2_0"] = jnp.zeros((D_OUT,), dtype=jnp.float32)
    inp["W1_1"] = _glorot(ks[6], (D_IN, D_HID))
    inp["b1_1"] = jnp.zeros((D_HID,), dtype=jnp.float32)
    inp["W2_1"] = _glorot(ks[7], (D_HID, D_OUT))
    inp["b2_1"] = jnp.zeros((D_OUT,), dtype=jnp.float32)
    return inp


def reference(x0, edge_index0, x1, edge_index1, W1_0, b1_0, W2_0, b2_0, W1_1, b1_1, W2_1, b2_1):
    h0 = jax.nn.elu(gcn_conv(x0, edge_index0, W1_0, b1_0))
    h0 = jax.nn.elu(gcn_conv(h0, edge_index0, W2_0, b2_0))
    h1 = jax.nn.elu(gcn_conv(x1, edge_index1, W1_1, b1_1))
    h1 = jax.nn.elu(gcn_conv(h1, edge_index1, W2_1, b2_1))
    return jnp.concatenate([h0, h1], axis=0)

if __name__ == "__main__":
    import jax
    _d = setup_inputs()
    print(jax.jit(kernel)(*tuple(_d.values())))

</pallas_src>

<mosaic_0001>
#map = affine_map<(d0, d1) -> (0, 0)>
#map1 = affine_map<(d0, d1) -> (0, 0, 0, 0)>
module attributes {stable_mosaic.version = 14 : i64} {
  func.func @_agg_kernel(%arg0: i32, %arg1: i32, %arg2: memref<20000x64xf32, #tpu.memory_space<hbm>>, %arg3: memref<2x16x160x128xi32, #tpu.memory_space<hbm>>, %arg4: memref<2x16x160x128xi32, #tpu.memory_space<hbm>>, %arg5: memref<640x64xf32, #tpu.memory_space<hbm>>, %arg6: memref<20000x64xf32, #tpu.memory_space<hbm>>, %arg7: memref<160x128xi32, #tpu.memory_space<vmem>>, %arg8: memref<160x128xi32, #tpu.memory_space<vmem>>, %arg9: memref<128x64xf32, #tpu.memory_space<vmem>>, %arg10: memref<128x64xf32, #tpu.memory_space<vmem>>, %arg11: memref<10240x64xf32, #tpu.memory_space<vmem_shared>>, %arg12: memref<!tpu.dma_semaphore, #tpu.memory_space<semaphore_mem>>, %arg13: memref<!tpu.dma_semaphore, #tpu.memory_space<semaphore_mem>>) attributes {dimension_semantics = [#tpu.dimension_semantics<core_parallel>, #tpu.dimension_semantics<subcore_parallel>], iteration_bounds = array<i64: 2, 16>, scalar_prefetch = 0 : i64, scratch_operands = 7 : i64, tpu.core_type = #tpu.core_type<sc_vector_subcore>, window_params = [{transform_indices = #map}, {transform_indices = #map1}, {transform_indices = #map1}, {transform_indices = #map}, {transform_indices = #map}]} {
    %mul3A = arith.constant 640 : i32
    %mul3A_0 = arith.muli %arg1, %mul3A : i32
    "tpu.region"() ({
      %run_scoped3A = tpu.sem_alloc : memref<!tpu.dma_semaphore, #tpu.memory_space<semaphore_mem>>
      %dma_start3A_25 = arith.constant 0 : i32
      %dma_start3A_26 = tpu.memref_slice %arg11[%mul3A_0, %dma_start3A_25] : memref<10240x64xf32, #tpu.memory_space<vmem_shared>> -> memref<640x64xf32, #tpu.memory_space<vmem_shared>>
      tpu.enqueue_dma source(%arg5 : memref<640x64xf32, #tpu.memory_space<hbm>>) target(%dma_start3A_26 : memref<640x64xf32, #tpu.memory_space<vmem_shared>>) target_semaphore(%run_scoped3A : memref<!tpu.dma_semaphore, #tpu.memory_space<semaphore_mem>>)
      %dma_wait3A_27 = arith.constant 0 : i32
      %dma_wait3A_28 = tpu.memref_slice %arg11[%mul3A_0, %dma_wait3A_27] : memref<10240x64xf32, #tpu.memory_space<vmem_shared>> -> memref<640x64xf32, #tpu.memory_space<vmem_shared>>
      tpu.wait_dma2 semaphore(%run_scoped3A : memref<!tpu.dma_semaphore, #tpu.memory_space<semaphore_mem>>) src(%arg5 : memref<640x64xf32, #tpu.memory_space<hbm>>) dst(%dma_wait3A_28 : memref<640x64xf32, #tpu.memory_space<vmem_shared>>)
      tpu.yield
    }) : () -> ()
    "tpu.region"() ({
      %run_scoped3A = tpu.sem_alloc : memref<!tpu.dma_semaphore, #tpu.memory_space<semaphore_mem>>
      %dma_start3A_25 = arith.constant 0 : i32
      %dma_start3A_26 = arith.constant 0 : i32
      %dma_start3A_27 = tpu.memref_slice %arg3[%arg0, %arg1, %dma_start3A_25, %dma_start3A_26] : memref<2x16x160x128xi32, #tpu.memory_space<hbm>> -> memref<1x1x160x128xi32, #tpu.memory_space<hbm>>
      %dma_start3A_28 = tpu.memref_squeeze %dma_start3A_27 : memref<1x1x160x128xi32, #tpu.memory_space<hbm>> -> memref<160x128xi32, #tpu.memory_space<hbm>>
      %dma_start3A_29 = arith.constant 0 : i32
      %dma_start3A_30 = arith.constant 0 : i32
      %dma_start3A_31 = tpu.memref_slice %arg3[%arg0, %arg1, %dma_start3A_29, %dma_start3A_30] : memref<2x16x160x128xi32, #tpu.memory_space<hbm>> -> memref<1x1x160x128xi32, #tpu.memory_space<hbm>>
      %dma_start3A_32 = tpu.memref_squeeze %dma_start3A_31 : memref<1x1x160x128xi32, #tpu.memory_space<hbm>> -> memref<160x128xi32, #tpu.memory_space<hbm>>
      tpu.enqueue_dma source(%dma_start3A_32 : memref<160x128xi32, #tpu.memory_space<hbm>>) target(%arg7 : memref<160x128xi32, #tpu.memory_space<vmem>>) target_semaphore(%run_scoped3A : memref<!tpu.dma_semaphore, #tpu.memory_space<semaphore_mem>>)
      %dma_wait3A_33 = arith.constant 0 : i32
      %dma_wait3A_34 = arith.constant 0 : i32
      %dma_wait3A_35 = tpu.memref_slice %arg3[%arg0, %arg1, %dma_wait3A_33, %dma_wait3A_34] : memref<2x16x160x128xi32, #tpu.memory_space<hbm>> -> memref<1x1x160x128xi32, #tpu.memory_space<hbm>>
      %dma_wait3A_36 = tpu.memref_squeeze %dma_wait3A_35 : memref<1x1x160x128xi32, #tpu.memory_space<hbm>> -> memref<160x128xi32, #tpu.memory_space<hbm>>
      %dma_wait3A_37 = arith.constant 0 : i32
      %dma_wait3A_38 = arith.constant 0 : i32
      %dma_wait3A_39 = tpu.memref_slice %arg3[%arg0, %arg1, %dma_wait3A_37, %dma_wait3A_38] : memref<2x16x160x128xi32, #tpu.memory_space<hbm>> -> memref<1x1x160x128xi32, #tpu.memory_space<hbm>>
      %dma_wait3A_40 = tpu.memref_squeeze %dma_wait3A_39 : memref<1x1x160x128xi32, #tpu.memory_space<hbm>> -> memref<160x128xi32, #tpu.memory_space<hbm>>
      tpu.wait_dma2 semaphore(%run_scoped3A : memref<!tpu.dma_semaphore, #tpu.memory_space<semaphore_mem>>) src(%dma_wait3A_40 : memref<160x128xi32, #tpu.memory_space<hbm>>) dst(%arg7 : memref<160x128xi32, #tpu.memory_space<vmem>>)
      tpu.yield
    }) : () -> ()
    "tpu.region"() ({
      %run_scoped3A = tpu.sem_alloc : memref<!tpu.dma_semaphore, #tpu.memory_space<semaphore_mem>>
      %dma_start3A_25 = arith.constant 0 : i32
      %dma_start3A_26 = arith.constant 0 : i32
      %dma_start3A_27 = tpu.memref_slice %arg4[%arg0, %arg1, %dma_start3A_25, %dma_start3A_26] : memref<2x16x160x128xi32, #tpu.memory_space<hbm>> -> memref<1x1x160x128xi32, #tpu.memory_space<hbm>>
      %dma_start3A_28 = tpu.memref_squeeze %dma_start3A_27 : memref<1x1x160x128xi32, #tpu.memory_space<hbm>> -> memref<160x128xi32, #tpu.memory_space<hbm>>
      %dma_start3A_29 = arith.constant 0 : i32
      %dma_start3A_30 = arith.constant 0 : i32
      %dma_start3A_31 = tpu.memref_slice %arg4[%arg0, %arg1, %dma_start3A_29, %dma_start3A_30] : memref<2x16x160x128xi32, #tpu.memory_space<hbm>> -> memref<1x1x160x128xi32, #tpu.memory_space<hbm>>
      %dma_start3A_32 = tpu.memref_squeeze %dma_start3A_31 : memref<1x1x160x128xi32, #tpu.memory_space<hbm>> -> memref<160x128xi32, #tpu.memory_space<hbm>>
      tpu.enqueue_dma source(%dma_start3A_32 : memref<160x128xi32, #tpu.memory_space<hbm>>) target(%arg8 : memref<160x128xi32, #tpu.memory_space<vmem>>) target_semaphore(%run_scoped3A : memref<!tpu.dma_semaphore, #tpu.memory_space<semaphore_mem>>)
      %dma_wait3A_33 = arith.constant 0 : i32
      %dma_wait3A_34 = arith.constant 0 : i32
      %dma_wait3A_35 = tpu.memref_slice %arg4[%arg0, %arg1, %dma_wait3A_33, %dma_wait3A_34] : memref<2x16x160x128xi32, #tpu.memory_space<hbm>> -> memref<1x1x160x128xi32, #tpu.memory_space<hbm>>
      %dma_wait3A_36 = tpu.memref_squeeze %dma_wait3A_35 : memref<1x1x160x128xi32, #tpu.memory_space<hbm>> -> memref<160x128xi32, #tpu.memory_space<hbm>>
      %dma_wait3A_37 = arith.constant 0 : i32
      %dma_wait3A_38 = arith.constant 0 : i32
      %dma_wait3A_39 = tpu.memref_slice %arg4[%arg0, %arg1, %dma_wait3A_37, %dma_wait3A_38] : memref<2x16x160x128xi32, #tpu.memory_space<hbm>> -> memref<1x1x160x128xi32, #tpu.memory_space<hbm>>
      %dma_wait3A_40 = tpu.memref_squeeze %dma_wait3A_39 : memref<1x1x160x128xi32, #tpu.memory_space<hbm>> -> memref<160x128xi32, #tpu.memory_space<hbm>>
      tpu.wait_dma2 semaphore(%run_scoped3A : memref<!tpu.dma_semaphore, #tpu.memory_space<semaphore_mem>>) src(%dma_wait3A_40 : memref<160x128xi32, #tpu.memory_space<hbm>>) dst(%arg8 : memref<160x128xi32, #tpu.memory_space<vmem>>)
      tpu.yield
    }) : () -> ()
    %barrier3A = arith.constant 0 : index
    tpu.barrier barrier_id(%barrier3A)
    %dma_start3A = arith.constant 0 : i32
    %dma_start3A_1 = arith.constant 0 : i32
    %dma_start3A_2 = tpu.memref_slice %arg7[%dma_start3A, %dma_start3A_1] : memref<160x128xi32, #tpu.memory_space<vmem>> -> memref<1x128xi32, #tpu.memory_space<vmem>>
    %dma_start3A_3 = tpu.memref_squeeze %dma_start3A_2 : memref<1x128xi32, #tpu.memory_space<vmem>> -> memref<128xi32, #tpu.memory_space<vmem>>
    %dma_start3A_4 = arith.constant 0 : i32
    %dma_start3A_5 = arith.constant 0 : i32
    %dma_start3A_6 = tpu.memref_slice %arg2[%dma_start3A_4, %dma_start3A_5] : memref<20000x64xf32, #tpu.memory_space<hbm>> -> memref<20000x64xf32, #tpu.memory_space<hbm>>
    tpu.enqueue_indirect_dma source(%dma_start3A_6 : memref<20000x64xf32, #tpu.memory_space<hbm>>) target(%arg9 : memref<128x64xf32, #tpu.memory_space<vmem>>) offsets(%dma_start3A_3 : memref<128xi32, #tpu.memory_space<vmem>>) semaphore(%arg12 : memref<!tpu.dma_semaphore, #tpu.memory_space<semaphore_mem>>)
    %scan3A = arith.constant 0 : i32
    %scan3A_7 = arith.constant 0 : i32
    %scan3A_8 = arith.constant 79 : i32
    %scan3A_9 = arith.addi %scan3A_7, %scan3A_8 : i32
    %scan3A_10 = arith.constant 1 : i32
    scf.for %scan3A_25 = %scan3A_7 to %scan3A_9 step %scan3A_10  : i32 {
      %mul3A_26 = arith.constant 2 : i32
      %mul3A_27 = arith.muli %mul3A_26, %scan3A_25 : i32
      %add3A = arith.constant 1 : i32
      %add3A_28 = arith.addi %mul3A_27, %add3A : i32
      %dma_start3A_29 = arith.constant 0 : i32
      %dma_start3A_30 = tpu.memref_slice %arg7[%add3A_28, %dma_start3A_29] : memref<160x128xi32, #tpu.memory_space<vmem>> -> memref<1x128xi32, #tpu.memory_space<vmem>>
      %dma_start3A_31 = tpu.memref_squeeze %dma_start3A_30 : memref<1x128xi32, #tpu.memory_space<vmem>> -> memref<128xi32, #tpu.memory_space<vmem>>
      %dma_start3A_32 = arith.constant 0 : i32
      %dma_start3A_33 = arith.constant 0 : i32
      %dma_start3A_34 = tpu.memref_slice %arg2[%dma_start3A_32, %dma_start3A_33] : memref<20000x64xf32, #tpu.memory_space<hbm>> -> memref<20000x64xf32, #tpu.memory_space<hbm>>
      tpu.enqueue_indirect_dma source(%dma_start3A_34 : memref<20000x64xf32, #tpu.memory_space<hbm>>) target(%arg10 : memref<128x64xf32, #tpu.memory_space<vmem>>) offsets(%dma_start3A_31 : memref<128xi32, #tpu.memory_space<vmem>>) semaphore(%arg13 : memref<!tpu.dma_semaphore, #tpu.memory_space<semaphore_mem>>)
      %dma_wait3A_35 = arith.constant 0 : i32
      %dma_wait3A_36 = arith.constant 0 : i32
      %dma_wait3A_37 = tpu.memref_slice %arg7[%dma_wait3A_35, %dma_wait3A_36] : memref<160x128xi32, #tpu.memory_space<vmem>> -> memref<1x128xi32, #tpu.memory_space<vmem>>
      %dma_wait3A_38 = tpu.memref_squeeze %dma_wait3A_37 : memref<1x128xi32, #tpu.memory_space<vmem>> -> memref<128xi32, #tpu.memory_space<vmem>>
      %dma_wait3A_39 = arith.constant 0 : i32
      %dma_wait3A_40 = arith.constant 0 : i32
      %dma_wait3A_41 = tpu.memref_slice %arg2[%dma_wait3A_39, %dma_wait3A_40] : memref<20000x64xf32, #tpu.memory_space<hbm>> -> memref<20000x64xf32, #tpu.memory_space<hbm>>
      tpu.wait_indirect_dma semaphore(%arg12 : memref<!tpu.dma_semaphore, #tpu.memory_space<semaphore_mem>>) src(%dma_wait3A_41 : memref<20000x64xf32, #tpu.memory_space<hbm>>) dst(%arg9 : memref<128x64xf32, #tpu.memory_space<vmem>>)
      "tpu.region"() ({
        %run_scoped3A = tpu.sem_alloc : memref<!tpu.dma_semaphore, #tpu.memory_space<semaphore_mem>>
        %dma_start3A_59 = arith.constant 0 : i32
        %dma_start3A_60 = tpu.memref_slice %arg8[%mul3A_27, %dma_start3A_59] : memref<160x128xi32, #tpu.memory_space<vmem>> -> memref<1x128xi32, #tpu.memory_space<vmem>>
        %dma_start3A_61 = tpu.memref_squeeze %dma_start3A_60 : memref<1x128xi32, #tpu.memory_space<vmem>> -> memref<128xi32, #tpu.memory_space<vmem>>
        %dma_start3A_62 = arith.constant 0 : i32
        %dma_start3A_63 = arith.constant 0 : i32
        %dma_start3A_64 = tpu.memref_slice %arg11[%dma_start3A_62, %dma_start3A_63] : memref<10240x64xf32, #tpu.memory_space<vmem_shared>> -> memref<10240x64xf32, #tpu.memory_space<vmem_shared>>
        tpu.enqueue_indirect_dma source(%arg9 : memref<128x64xf32, #tpu.memory_space<vmem>>) target(%dma_start3A_64 : memref<10240x64xf32, #tpu.memory_space<vmem_shared>>) offsets(%dma_start3A_61 : memref<128xi32, #tpu.memory_space<vmem>>) semaphore(%run_scoped3A : memref<!tpu.dma_semaphore, #tpu.memory_space<semaphore_mem>>) {add = true}
        %dma_wait3A_65 = arith.constant 0 : i32
        %dma_wait3A_66 = tpu.memref_slice %arg8[%mul3A_27, %dma_wait3A_65] : memref<160x128xi32, #tpu.memory_space<vmem>> -> memref<1x128xi32, #tpu.memory_space<vmem>>
        %dma_wait3A_67 = tpu.memref_squeeze %dma_wait3A_66 : memref<1x128xi32, #tpu.memory_space<vmem>> -> memref<128xi32, #tpu.memory_space<vmem>>
        %dma_wait3A_68 = arith.constant 0 : i32
        %dma_wait3A_69 = arith.constant 0 : i32
        %dma_wait3A_70 = tpu.memref_slice %arg11[%dma_wait3A_68, %dma_wait3A_69] : memref<10240x64xf32, #tpu.memory_space<vmem_shared>> -> memref<10240x64xf32, #tpu.memory_space<vmem_shared>>
        tpu.wait_indirect_dma semaphore(%run_scoped3A : memref<!tpu.dma_semaphore, #tpu.memory_space<semaphore_mem>>) src(%arg9 : memref<128x64xf32, #tpu.memory_space<vmem>>) dst(%dma_wait3A_70 : memref<10240x64xf32, #tpu.memory_space<vmem_shared>>)
        tpu.yield
      }) : () -> ()
      %add3A_42 = arith.constant 2 : i32
      %add3A_43 = arith.addi %mul3A_27, %add3A_42 : i32
      %dma_start3A_44 = arith.constant 0 : i32
      %dma_start3A_45 = tpu.memref_slice %arg7[%add3A_43, %dma_start3A_44] : memref<160x128xi32, #tpu.memory_space<vmem>> -> memref<1x128xi32, #tpu.memory_space<vmem>>
      %dma_start3A_46 = tpu.memref_squeeze %dma_start3A_45 : memref<1x128xi32, #tpu.memory_space<vmem>> -> memref<128xi32, #tpu.memory_space<vmem>>
      %dma_start3A_47 = arith.constant 0 : i32
      %dma_start3A_48 = arith.constant 0 : i32
      %dma_start3A_49 = tpu.memref_slice %arg2[%dma_start3A_47, %dma_start3A_48] : memref<20000x64xf32, #tpu.memory_space<hbm>> -> memref<20000x64xf32, #tpu.memory_space<hbm>>
      tpu.enqueue_indirect_dma source(%dma_start3A_49 : memref<20000x64xf32, #tpu.memory_space<hbm>>) target(%arg9 : memref<128x64xf32, #tpu.memory_space<vmem>>) offsets(%dma_start3A_46 : memref<128xi32, #tpu.memory_space<vmem>>) semaphore(%arg12 : memref<!tpu.dma_semaphore, #tpu.memory_space<semaphore_mem>>)
      %dma_wait3A_50 = arith.constant 0 : i32
      %dma_wait3A_51 = arith.constant 0 : i32
      %dma_wait3A_52 = tpu.memref_slice %arg7[%dma_wait3A_50, %dma_wait3A_51] : memref<160x128xi32, #tpu.memory_space<vmem>> -> memref<1x128xi32, #tpu.memory_space<vmem>>
      %dma_wait3A_53 = tpu.memref_squeeze %dma_wait3A_52 : memref<1x128xi32, #tpu.memory_space<vmem>> -> memref<128xi32, #tpu.memory_space<vmem>>
      %dma_wait3A_54 = arith.constant 0 : i32
      %dma_wait3A_55 = arith.constant 0 : i32
      %dma_wait3A_56 = tpu.memref_slice %arg2[%dma_wait3A_54, %dma_wait3A_55] : memref<20000x64xf32, #tpu.memory_space<hbm>> -> memref<20000x64xf32, #tpu.memory_space<hbm>>
      tpu.wait_indirect_dma semaphore(%arg13 : memref<!tpu.dma_semaphore, #tpu.memory_space<semaphore_mem>>) src(%dma_wait3A_56 : memref<20000x64xf32, #tpu.memory_space<hbm>>) dst(%arg10 : memref<128x64xf32, #tpu.memory_space<vmem>>)
      %add3A_57 = arith.constant 1 : i32
      %add3A_58 = arith.addi %mul3A_27, %add3A_57 : i32
      "tpu.region"() ({
        %run_scoped3A = tpu.sem_alloc : memref<!tpu.dma_semaphore, #tpu.memory_space<semaphore_mem>>
        %dma_start3A_59 = arith.constant 0 : i32
        %dma_start3A_60 = tpu.memref_slice %arg8[%add3A_58, %dma_start3A_59] : memref<160x128xi32, #tpu.memory_space<vmem>> -> memref<1x128xi32, #tpu.memory_space<vmem>>
        %dma_start3A_61 = tpu.memref_squeeze %dma_start3A_60 : memref<1x128xi32, #tpu.memory_space<vmem>> -> memref<128xi32, #tpu.memory_space<vmem>>
        %dma_start3A_62 = arith.constant 0 : i32
        %dma_start3A_63 = arith.constant 0 : i32
        %dma_start3A_64 = tpu.memref_slice %arg11[%dma_start3A_62, %dma_start3A_63] : memref<10240x64xf32, #tpu.memory_space<vmem_shared>> -> memref<10240x64xf32, #tpu.memory_space<vmem_shared>>
        tpu.enqueue_indirect_dma source(%arg10 : memref<128x64xf32, #tpu.memory_space<vmem>>) target(%dma_start3A_64 : memref<10240x64xf32, #tpu.memory_space<vmem_shared>>) offsets(%dma_start3A_61 : memref<128xi32, #tpu.memory_space<vmem>>) semaphore(%run_scoped3A : memref<!tpu.dma_semaphore, #tpu.memory_space<semaphore_mem>>) {add = true}
        %dma_wait3A_65 = arith.constant 0 : i32
        %dma_wait3A_66 = tpu.memref_slice %arg8[%add3A_58, %dma_wait3A_65] : memref<160x128xi32, #tpu.memory_space<vmem>> -> memref<1x128xi32, #tpu.memory_space<vmem>>
        %dma_wait3A_67 = tpu.memref_squeeze %dma_wait3A_66 : memref<1x128xi32, #tpu.memory_space<vmem>> -> memref<128xi32, #tpu.memory_space<vmem>>
        %dma_wait3A_68 = arith.constant 0 : i32
        %dma_wait3A_69 = arith.constant 0 : i32
        %dma_wait3A_70 = tpu.memref_slice %arg11[%dma_wait3A_68, %dma_wait3A_69] : memref<10240x64xf32, #tpu.memory_space<vmem_shared>> -> memref<10240x64xf32, #tpu.memory_space<vmem_shared>>
        tpu.wait_indirect_dma semaphore(%run_scoped3A : memref<!tpu.dma_semaphore, #tpu.memory_space<semaphore_mem>>) src(%arg10 : memref<128x64xf32, #tpu.memory_space<vmem>>) dst(%dma_wait3A_70 : memref<10240x64xf32, #tpu.memory_space<vmem_shared>>)
        tpu.yield
      }) : () -> ()
    }
    %scan3A_11 = arith.constant 79 : i32
    %dma_wait3A = arith.constant 0 : i32
    %dma_wait3A_12 = arith.constant 0 : i32
    %dma_wait3A_13 = tpu.memref_slice %arg7[%dma_wait3A, %dma_wait3A_12] : memref<160x128xi32, #tpu.memory_space<vmem>> -> memref<1x128xi32, #tpu.memory_space<vmem>>
    %dma_wait3A_14 = tpu.memref_squeeze %dma_wait3A_13 : memref<1x128xi32, #tpu.memory_space<vmem>> -> memref<128xi32, #tpu.memory_space<vmem>>
    %dma_wait3A_15 = arith.constant 0 : i32
    %dma_wait3A_16 = arith.constant 0 : i32
    %dma_wait3A_17 = tpu.memref_slice %arg2[%dma_wait3A_15, %dma_wait3A_16] : memref<20000x64xf32, #tpu.memory_space<hbm>> -> memref<20000x64xf32, #tpu.memory_space<hbm>>
    tpu.wait_indirect_dma semaphore(%arg12 : memref<!tpu.dma_semaphore, #tpu.memory_space<semaphore_mem>>) src(%dma_wait3A_17 : memref<20000x64xf32, #tpu.memory_space<hbm>>) dst(%arg9 : memref<128x64xf32, #tpu.memory_space<vmem>>)
    %barrier3A_18 = arith.constant 0 : index
    tpu.barrier barrier_id(%barrier3A_18)
    %lt3A = arith.constant 15 : i32
    %lt3A_19 = arith.cmpi slt, %arg1, %lt3A : i32
    %convert_element_type3A = arith.extui %lt3A_19 : i1 to i32
    %cond3A = arith.constant 0 : i32
    %cond3A_20 = arith.cmpi ne, %convert_element_type3A, %cond3A : i32
    scf.if %cond3A_20 {
      %mul3A_25 = arith.constant 640 : i32
      %mul3A_26 = arith.muli %arg1, %mul3A_25 : i32
      %mul3A_27 = arith.constant 10000 : i32
      %mul3A_28 = arith.muli %arg0, %mul3A_27 : i32
      %mul3A_29 = arith.constant 640 : i32
      %mul3A_30 = arith.muli %arg1, %mul3A_29 : i32
      %add3A = arith.addi %mul3A_28, %mul3A_30 : i32
      "tpu.region"() ({
        %run_scoped3A = tpu.sem_alloc : memref<!tpu.dma_semaphore, #tpu.memory_space<semaphore_mem>>
        %dma_start3A_31 = arith.constant 0 : i32
        %dma_start3A_32 = tpu.memref_slice %arg6[%add3A, %dma_start3A_31] : memref<20000x64xf32, #tpu.memory_space<hbm>> -> memref<640x64xf32, #tpu.memory_space<hbm>>
        %dma_start3A_33 = arith.constant 0 : i32
        %dma_start3A_34 = tpu.memref_slice %arg11[%mul3A_26, %dma_start3A_33] : memref<10240x64xf32, #tpu.memory_space<vmem_shared>> -> memref<640x64xf32, #tpu.memory_space<vmem_shared>>
        tpu.enqueue_dma source(%dma_start3A_34 : memref<640x64xf32, #tpu.memory_space<vmem_shared>>) target(%dma_start3A_32 : memref<640x64xf32, #tpu.memory_space<hbm>>) target_semaphore(%run_scoped3A : memref<!tpu.dma_semaphore, #tpu.memory_space<semaphore_mem>>)
        %dma_wait3A_35 = arith.constant 0 : i32
        %dma_wait3A_36 = tpu.memref_slice %arg6[%add3A, %dma_wait3A_35] : memref<20000x64xf32, #tpu.memory_space<hbm>> -> memref<640x64xf32, #tpu.memory_space<hbm>>
        %dma_wait3A_37 = arith.constant 0 : i32
        %dma_wait3A_38 = tpu.memref_slice %arg11[%mul3A_26, %dma_wait3A_37] : memref<10240x64xf32, #tpu.memory_space<vmem_shared>> -> memref<640x64xf32, #tpu.memory_space<vmem_shared>>
        tpu.wait_dma2 semaphore(%run_scoped3A : memref<!tpu.dma_semaphore, #tpu.memory_space<semaphore_mem>>) src(%dma_wait3A_38 : memref<640x64xf32, #tpu.memory_space<vmem_shared>>) dst(%dma_wait3A_36 : memref<640x64xf32, #tpu.memory_space<hbm>>)
        tpu.yield
      }) : () -> ()
    } else {
    }
    %eq3A = arith.constant 15 : i32
    %eq3A_21 = arith.cmpi eq, %arg1, %eq3A : i32
    %convert_element_type3A_22 = arith.extui %eq3A_21 : i1 to i32
    %cond3A_23 = arith.constant 0 : i32
    %cond3A_24 = arith.cmpi ne, %convert_element_type3A_22, %cond3A_23 : i32
    scf.if %cond3A_24 {
      %mul3A_25 = arith.constant 10000 : i32
      %mul3A_26 = arith.muli %arg0, %mul3A_25 : i32
      %add3A = arith.constant 9600 : i32
      %add3A_27 = arith.addi %mul3A_26, %add3A : i32
      "tpu.region"() ({
        %run_scoped3A = tpu.sem_alloc : memref<!tpu.dma_semaphore, #tpu.memory_space<semaphore_mem>>
        %dma_start3A_28 = arith.constant 0 : i32
        %dma_start3A_29 = tpu.memref_slice %arg6[%add3A_27, %dma_start3A_28] : memref<20000x64xf32, #tpu.memory_space<hbm>> -> memref<400x64xf32, #tpu.memory_space<hbm>>
        %dma_start3A_30 = arith.constant 9600 : i32
        %dma_start3A_31 = arith.constant 0 : i32
        %dma_start3A_32 = tpu.memref_slice %arg11[%dma_start3A_30, %dma_start3A_31] : memref<10240x64xf32, #tpu.memory_space<vmem_shared>> -> memref<400x64xf32, #tpu.memory_space<vmem_shared>>
        tpu.enqueue_dma source(%dma_start3A_32 : memref<400x64xf32, #tpu.memory_space<vmem_shared>>) target(%dma_start3A_29 : memref<400x64xf32, #tpu.memory_space<hbm>>) target_semaphore(%run_scoped3A : memref<!tpu.dma_semaphore, #tpu.memory_space<semaphore_mem>>)
        %dma_wait3A_33 = arith.constant 0 : i32
        %dma_wait3A_34 = tpu.memref_slice %arg6[%add3A_27, %dma_wait3A_33] : memref<20000x64xf32, #tpu.memory_space<hbm>> -> memref<400x64xf32, #tpu.memory_space<hbm>>
        %dma_wait3A_35 = arith.constant 9600 : i32
        %dma_wait3A_36 = arith.constant 0 : i32
        %dma_wait3A_37 = tpu.memref_slice %arg11[%dma_wait3A_35, %dma_wait3A_36] : memref<10240x64xf32, #tpu.memory_space<vmem_shared>> -> memref<400x64xf32, #tpu.memory_space<vmem_shared>>
        tpu.wait_dma2 semaphore(%run_scoped3A : memref<!tpu.dma_semaphore, #tpu.memory_space<semaphore_mem>>) src(%dma_wait3A_37 : memref<400x64xf32, #tpu.memory_space<vmem_shared>>) dst(%dma_wait3A_34 : memref<400x64xf32, #tpu.memory_space<hbm>>)
        tpu.yield
      }) : () -> ()
    } else {
    }
    return
  }
}

#map = affine_map<(d0, d1) -> (0, 0)>
#map1 = affine_map<(d0, d1) -> (0, 0, 0, 0)>
module attributes {stable_mosaic.version = 14 : i64} {
  func.func @_agg_kernel(%arg0: i32, %arg1: i32, %arg2: memref<20000x64xf32, #tpu.memory_space<hbm>>, %arg3: memref<2x16x160x128xi32, #tpu.memory_space<hbm>>, %arg4: memref<2x16x160x128xi32, #tpu.memory_space<hbm>>, %arg5: memref<640x64xf32, #tpu.memory_space<hbm>>, %arg6: memref<20000x64xf32, #tpu.memory_space<hbm>>, %arg7: memref<160x128xi32, #tpu.memory_space<vmem>>, %arg8: memref<160x128xi32, #tpu.memory_space<vmem>>, %arg9: memref<128x64xf32, #tpu.memory_space<vmem>>, %arg10: memref<128x64xf32, #tpu.memory_space<vmem>>, %arg11: memref<10240x64xf32, #tpu.memory_space<vmem_shared>>, %arg12: memref<!tpu.dma_semaphore, #tpu.memory_space<semaphore_mem>>, %arg13: memref<!tpu.dma_semaphore, #tpu.memory_space<semaphore_mem>>) attributes {dimension_semantics = [#tpu.dimension_semantics<core_parallel>, #tpu.dimension_semantics<subcore_parallel>], iteration_bounds = array<i64: 2, 16>, scalar_prefetch = 0 : i64, scratch_operands = 7 : i64, tpu.core_type = #tpu.core_type<sc_vector_subcore>, window_params = [{transform_indices = #map}, {transform_indices = #map1}, {transform_indices = #map1}, {transform_indices = #map}, {transform_indices = #map}]} {
    %mul3A = arith.constant 640 : i32
    %mul3A_0 = arith.muli %arg1, %mul3A : i32
    "tpu.region"() ({
      %run_scoped3A = tpu.sem_alloc : memref<!tpu.dma_semaphore, #tpu.memory_space<semaphore_mem>>
      %dma_start3A_25 = arith.constant 0 : i32
      %dma_start3A_26 = tpu.memref_slice %arg11[%mul3A_0, %dma_start3A_25] : memref<10240x64xf32, #tpu.memory_space<vmem_shared>> -> memref<640x64xf32, #tpu.memory_space<vmem_shared>>
      tpu.enqueue_dma source(%arg5 : memref<640x64xf32, #tpu.memory_space<hbm>>) target(%dma_start3A_26 : memref<640x64xf32, #tpu.memory_space<vmem_shared>>) target_semaphore(%run_scoped3A : memref<!tpu.dma_semaphore, #tpu.memory_space<semaphore_mem>>)
      %dma_wait3A_27 = arith.constant 0 : i32
      %dma_wait3A_28 = tpu.memref_slice %arg11[%mul3A_0, %dma_wait3A_27] : memref<10240x64xf32, #tpu.memory_space<vmem_shared>> -> memref<640x64xf32, #tpu.memory_space<vmem_shared>>
      tpu.wait_dma2 semaphore(%run_scoped3A : memref<!tpu.dma_semaphore, #tpu.memory_space<semaphore_mem>>) src(%arg5 : memref<640x64xf32, #tpu.memory_space<hbm>>) dst(%dma_wait3A_28 : memref<640x64xf32, #tpu.memory_space<vmem_shared>>)
      tpu.yield
    }) : () -> ()
    "tpu.region"() ({
      %run_scoped3A = tpu.sem_alloc : memref<!tpu.dma_semaphore, #tpu.memory_space<semaphore_mem>>
      %dma_start3A_25 = arith.constant 0 : i32
      %dma_start3A_26 = arith.constant 0 : i32
      %dma_start3A_27 = tpu.memref_slice %arg3[%arg0, %arg1, %dma_start3A_25, %dma_start3A_26] : memref<2x16x160x128xi32, #tpu.memory_space<hbm>> -> memref<1x1x160x128xi32, #tpu.memory_space<hbm>>
      %dma_start3A_28 = tpu.memref_squeeze %dma_start3A_27 : memref<1x1x160x128xi32, #tpu.memory_space<hbm>> -> memref<160x128xi32, #tpu.memory_space<hbm>>
      %dma_start3A_29 = arith.constant 0 : i32
      %dma_start3A_30 = arith.constant 0 : i32
      %dma_start3A_31 = tpu.memref_slice %arg3[%arg0, %arg1, %dma_start3A_29, %dma_start3A_30] : memref<2x16x160x128xi32, #tpu.memory_space<hbm>> -> memref<1x1x160x128xi32, #tpu.memory_space<hbm>>
      %dma_start3A_32 = tpu.memref_squeeze %dma_start3A_31 : memref<1x1x160x128xi32, #tpu.memory_space<hbm>> -> memref<160x128xi32, #tpu.memory_space<hbm>>
      tpu.enqueue_dma source(%dma_start3A_32 : memref<160x128xi32, #tpu.memory_space<hbm>>) target(%arg7 : memref<160x128xi32, #tpu.memory_space<vmem>>) target_semaphore(%run_scoped3A : memref<!tpu.dma_semaphore, #tpu.memory_space<semaphore_mem>>)
      %dma_wait3A_33 = arith.constant 0 : i32
      %dma_wait3A_34 = arith.constant 0 : i32
      %dma_wait3A_35 = tpu.memref_slice %arg3[%arg0, %arg1, %dma_wait3A_33, %dma_wait3A_34] : memref<2x16x160x128xi32, #tpu.memory_space<hbm>> -> memref<1x1x160x128xi32, #tpu.memory_space<hbm>>
      %dma_wait3A_36 = tpu.memref_squeeze %dma_wait3A_35 : memref<1x1x160x128xi32, #tpu.memory_space<hbm>> -> memref<160x128xi32, #tpu.memory_space<hbm>>
      %dma_wait3A_37 = arith.constant 0 : i32
      %dma_wait3A_38 = arith.constant 0 : i32
      %dma_wait3A_39 = tpu.memref_slice %arg3[%arg0, %arg1, %dma_wait3A_37, %dma_wait3A_38] : memref<2x16x160x128xi32, #tpu.memory_space<hbm>> -> memref<1x1x160x128xi32, #tpu.memory_space<hbm>>
      %dma_wait3A_40 = tpu.memref_squeeze %dma_wait3A_39 : memref<1x1x160x128xi32, #tpu.memory_space<hbm>> -> memref<160x128xi32, #tpu.memory_space<hbm>>
      tpu.wait_dma2 semaphore(%run_scoped3A : memref<!tpu.dma_semaphore, #tpu.memory_space<semaphore_mem>>) src(%dma_wait3A_40 : memref<160x128xi32, #tpu.memory_space<hbm>>) dst(%arg7 : memref<160x128xi32, #tpu.memory_space<vmem>>)
      tpu.yield
    }) : () -> ()
    "tpu.region"() ({
      %run_scoped3A = tpu.sem_alloc : memref<!tpu.dma_semaphore, #tpu.memory_space<semaphore_mem>>
      %dma_start3A_25 = arith.constant 0 : i32
      %dma_start3A_26 = arith.constant 0 : i32
      %dma_start3A_27 = tpu.memref_slice %arg4[%arg0, %arg1, %dma_start3A_25, %dma_start3A_26] : memref<2x16x160x128xi32, #tpu.memory_space<hbm>> -> memref<1x1x160x128xi32, #tpu.memory_space<hbm>>
      %dma_start3A_28 = tpu.memref_squeeze %dma_start3A_27 : memref<1x1x160x128xi32, #tpu.memory_space<hbm>> -> memref<160x128xi32, #tpu.memory_space<hbm>>
      %dma_start3A_29 = arith.constant 0 : i32
      %dma_start3A_30 = arith.constant 0 : i32
      %dma_start3A_31 = tpu.memref_slice %arg4[%arg0, %arg1, %dma_start3A_29, %dma_start3A_30] : memref<2x16x160x128xi32, #tpu.memory_space<hbm>> -> memref<1x1x160x128xi32, #tpu.memory_space<hbm>>
      %dma_start3A_32 = tpu.memref_squeeze %dma_start3A_31 : memref<1x1x160x128xi32, #tpu.memory_space<hbm>> -> memref<160x128xi32, #tpu.memory_space<hbm>>
      tpu.enqueue_dma source(%dma_start3A_32 : memref<160x128xi32, #tpu.memory_space<hbm>>) target(%arg8 : memref<160x128xi32, #tpu.memory_space<vmem>>) target_semaphore(%run_scoped3A : memref<!tpu.dma_semaphore, #tpu.memory_space<semaphore_mem>>)
      %dma_wait3A_33 = arith.constant 0 : i32
      %dma_wait3A_34 = arith.constant 0 : i32
      %dma_wait3A_35 = tpu.memref_slice %arg4[%arg0, %arg1, %dma_wait3A_33, %dma_wait3A_34] : memref<2x16x160x128xi32, #tpu.memory_space<hbm>> -> memref<1x1x160x128xi32, #tpu.memory_space<hbm>>
      %dma_wait3A_36 = tpu.memref_squeeze %dma_wait3A_35 : memref<1x1x160x128xi32, #tpu.memory_space<hbm>> -> memref<160x128xi32, #tpu.memory_space<hbm>>
      %dma_wait3A_37 = arith.constant 0 : i32
      %dma_wait3A_38 = arith.constant 0 : i32
      %dma_wait3A_39 = tpu.memref_slice %arg4[%arg0, %arg1, %dma_wait3A_37, %dma_wait3A_38] : memref<2x16x160x128xi32, #tpu.memory_space<hbm>> -> memref<1x1x160x128xi32, #tpu.memory_space<hbm>>
      %dma_wait3A_40 = tpu.memref_squeeze %dma_wait3A_39 : memref<1x1x160x128xi32, #tpu.memory_space<hbm>> -> memref<160x128xi32, #tpu.memory_space<hbm>>
      tpu.wait_dma2 semaphore(%run_scoped3A : memref<!tpu.dma_semaphore, #tpu.memory_space<semaphore_mem>>) src(%dma_wait3A_40 : memref<160x128xi32, #tpu.memory_space<hbm>>) dst(%arg8 : memref<160x128xi32, #tpu.memory_space<vmem>>)
      tpu.yield
    }) : () -> ()
    %barrier3A = arith.constant 0 : index
    tpu.barrier barrier_id(%barrier3A)
    %dma_start3A = arith.constant 0 : i32
    %dma_start3A_1 = arith.constant 0 : i32
    %dma_start3A_2 = tpu.memref_slice %arg7[%dma_start3A, %dma_start3A_1] : memref<160x128xi32, #tpu.memory_space<vmem>> -> memref<1x128xi32, #tpu.memory_space<vmem>>
    %dma_start3A_3 = tpu.memref_squeeze %dma_start3A_2 : memref<1x128xi32, #tpu.memory_space<vmem>> -> memref<128xi32, #tpu.memory_space<vmem>>
    %dma_start3A_4 = arith.constant 0 : i32
    %dma_start3A_5 = arith.constant 0 : i32
    %dma_start3A_6 = tpu.memref_slice %arg2[%dma_start3A_4, %dma_start3A_5] : memref<20000x64xf32, #tpu.memory_space<hbm>> -> memref<20000x64xf32, #tpu.memory_space<hbm>>
    tpu.enqueue_indirect_dma source(%dma_start3A_6 : memref<20000x64xf32, #tpu.memory_space<hbm>>) target(%arg9 : memref<128x64xf32, #tpu.memory_space<vmem>>) offsets(%dma_start3A_3 : memref<128xi32, #tpu.memory_space<vmem>>) semaphore(%arg12 : memref<!tpu.dma_semaphore, #tpu.memory_space<semaphore_mem>>)
    %scan3A = arith.constant 0 : i32
    %scan3A_7 = arith.constant 0 : i32
    %scan3A_8 = arith.constant 79 : i32
    %scan3A_9 = arith.addi %scan3A_7, %scan3A_8 : i32
    %scan3A_10 = arith.constant 1 : i32
    scf.for %scan3A_25 = %scan3A_7 to %scan3A_9 step %scan3A_10  : i32 {
      %mul3A_26 = arith.constant 2 : i32
      %mul3A_27 = arith.muli %mul3A_26, %scan3A_25 : i32
      %add3A = arith.constant 1 : i32
      %add3A_28 = arith.addi %mul3A_27, %add3A : i32
      %dma_start3A_29 = arith.constant 0 : i32
      %dma_start3A_30 = tpu.memref_slice %arg7[%add3A_28, %dma_start3A_29] : memref<160x128xi32, #tpu.memory_space<vmem>> -> memref<1x128xi32, #tpu.memory_space<vmem>>
      %dma_start3A_31 = tpu.memref_squeeze %dma_start3A_30 : memref<1x128xi32, #tpu.memory_space<vmem>> -> memref<128xi32, #tpu.memory_space<vmem>>
      %dma_start3A_32 = arith.constant 0 : i32
      %dma_start3A_33 = arith.constant 0 : i32
      %dma_start3A_34 = tpu.memref_slice %arg2[%dma_start3A_32, %dma_start3A_33] : memref<20000x64xf32, #tpu.memory_space<hbm>> -> memref<20000x64xf32, #tpu.memory_space<hbm>>
      tpu.enqueue_indirect_dma source(%dma_start3A_34 : memref<20000x64xf32, #tpu.memory_space<hbm>>) target(%arg10 : memref<128x64xf32, #tpu.memory_space<vmem>>) offsets(%dma_start3A_31 : memref<128xi32, #tpu.memory_space<vmem>>) semaphore(%arg13 : memref<!tpu.dma_semaphore, #tpu.memory_space<semaphore_mem>>)
      %dma_wait3A_35 = arith.constant 0 : i32
      %dma_wait3A_36 = arith.constant 0 : i32
      %dma_wait3A_37 = tpu.memref_slice %arg7[%dma_wait3A_35, %dma_wait3A_36] : memref<160x128xi32, #tpu.memory_space<vmem>> -> memref<1x128xi32, #tpu.memory_space<vmem>>
      %dma_wait3A_38 = tpu.memref_squeeze %dma_wait3A_37 : memref<1x128xi32, #tpu.memory_space<vmem>> -> memref<128xi32, #tpu.memory_space<vmem>>
      %dma_wait3A_39 = arith.constant 0 : i32
      %dma_wait3A_40 = arith.constant 0 : i32
      %dma_wait3A_41 = tpu.memref_slice %arg2[%dma_wait3A_39, %dma_wait3A_40] : memref<20000x64xf32, #tpu.memory_space<hbm>> -> memref<20000x64xf32, #tpu.memory_space<hbm>>
      tpu.wait_indirect_dma semaphore(%arg12 : memref<!tpu.dma_semaphore, #tpu.memory_space<semaphore_mem>>) src(%dma_wait3A_41 : memref<20000x64xf32, #tpu.memory_space<hbm>>) dst(%arg9 : memref<128x64xf32, #tpu.memory_space<vmem>>)
      "tpu.region"() ({
        %run_scoped3A = tpu.sem_alloc : memref<!tpu.dma_semaphore, #tpu.memory_space<semaphore_mem>>
        %dma_start3A_59 = arith.constant 0 : i32
        %dma_start3A_60 = tpu.memref_slice %arg8[%mul3A_27, %dma_start3A_59] : memref<160x128xi32, #tpu.memory_space<vmem>> -> memref<1x128xi32, #tpu.memory_space<vmem>>
        %dma_start3A_61 = tpu.memref_squeeze %dma_start3A_60 : memref<1x128xi32, #tpu.memory_space<vmem>> -> memref<128xi32, #tpu.memory_space<vmem>>
        %dma_start3A_62 = arith.constant 0 : i32
        %dma_start3A_63 = arith.constant 0 : i32
        %dma_start3A_64 = tpu.memref_slice %arg11[%dma_start3A_62, %dma_start3A_63] : memref<10240x64xf32, #tpu.memory_space<vmem_shared>> -> memref<10240x64xf32, #tpu.memory_space<vmem_shared>>
        tpu.enqueue_indirect_dma source(%arg9 : memref<128x64xf32, #tpu.memory_space<vmem>>) target(%dma_start3A_64 : memref<10240x64xf32, #tpu.memory_space<vmem_shared>>) offsets(%dma_start3A_61 : memref<128xi32, #tpu.memory_space<vmem>>) semaphore(%run_scoped3A : memref<!tpu.dma_semaphore, #tpu.memory_space<semaphore_mem>>) {add = true}
        %dma_wait3A_65 = arith.constant 0 : i32
        %dma_wait3A_66 = tpu.memref_slice %arg8[%mul3A_27, %dma_wait3A_65] : memref<160x128xi32, #tpu.memory_space<vmem>> -> memref<1x128xi32, #tpu.memory_space<vmem>>
        %dma_wait3A_67 = tpu.memref_squeeze %dma_wait3A_66 : memref<1x128xi32, #tpu.memory_space<vmem>> -> memref<128xi32, #tpu.memory_space<vmem>>
        %dma_wait3A_68 = arith.constant 0 : i32
        %dma_wait3A_69 = arith.constant 0 : i32
        %dma_wait3A_70 = tpu.memref_slice %arg11[%dma_wait3A_68, %dma_wait3A_69] : memref<10240x64xf32, #tpu.memory_space<vmem_shared>> -> memref<10240x64xf32, #tpu.memory_space<vmem_shared>>
        tpu.wait_indirect_dma semaphore(%run_scoped3A : memref<!tpu.dma_semaphore, #tpu.memory_space<semaphore_mem>>) src(%arg9 : memref<128x64xf32, #tpu.memory_space<vmem>>) dst(%dma_wait3A_70 : memref<10240x64xf32, #tpu.memory_space<vmem_shared>>)
        tpu.yield
      }) : () -> ()
      %add3A_42 = arith.constant 2 : i32
      %add3A_43 = arith.addi %mul3A_27, %add3A_42 : i32
      %dma_start3A_44 = arith.constant 0 : i32
      %dma_start3A_45 = tpu.memref_slice %arg7[%add3A_43, %dma_start3A_44] : memref<160x128xi32, #tpu.memory_space<vmem>> -> memref<1x128xi32, #tpu.memory_space<vmem>>
      %dma_start3A_46 = tpu.memref_squeeze %dma_start3A_45 : memref<1x128xi32, #tpu.memory_space<vmem>> -> memref<128xi32, #tpu.memory_space<vmem>>
      %dma_start3A_47 = arith.constant 0 : i32
      %dma_start3A_48 = arith.constant 0 : i32
      %dma_start3A_49 = tpu.memref_slice %arg2[%dma_start3A_47, %dma_start3A_48] : memref<20000x64xf32, #tpu.memory_space<hbm>> -> memref<20000x64xf32, #tpu.memory_space<hbm>>
      tpu.enqueue_indirect_dma source(%dma_start3A_49 : memref<20000x64xf32, #tpu.memory_space<hbm>>) target(%arg9 : memref<128x64xf32, #tpu.memory_space<vmem>>) offsets(%dma_start3A_46 : memref<128xi32, #tpu.memory_space<vmem>>) semaphore(%arg12 : memref<!tpu.dma_semaphore, #tpu.memory_space<semaphore_mem>>)
      %dma_wait3A_50 = arith.constant 0 : i32
      %dma_wait3A_51 = arith.constant 0 : i32
      %dma_wait3A_52 = tpu.memref_slice %arg7[%dma_wait3A_50, %dma_wait3A_51] : memref<160x128xi32, #tpu.memory_space<vmem>> -> memref<1x128xi32, #tpu.memory_space<vmem>>
      %dma_wait3A_53 = tpu.memref_squeeze %dma_wait3A_52 : memref<1x128xi32, #tpu.memory_space<vmem>> -> memref<128xi32, #tpu.memory_space<vmem>>
      %dma_wait3A_54 = arith.constant 0 : i32
      %dma_wait3A_55 = arith.constant 0 : i32
      %dma_wait3A_56 = tpu.memref_slice %arg2[%dma_wait3A_54, %dma_wait3A_55] : memref<20000x64xf32, #tpu.memory_space<hbm>> -> memref<20000x64xf32, #tpu.memory_space<hbm>>
      tpu.wait_indirect_dma semaphore(%arg13 : memref<!tpu.dma_semaphore, #tpu.memory_space<semaphore_mem>>) src(%dma_wait3A_56 : memref<20000x64xf32, #tpu.memory_space<hbm>>) dst(%arg10 : memref<128x64xf32, #tpu.memory_space<vmem>>)
      %add3A_57 = arith.constant 1 : i32
      %add3A_58 = arith.addi %mul3A_27, %add3A_57 : i32
      "tpu.region"() ({
        %run_scoped3A = tpu.sem_alloc : memref<!tpu.dma_semaphore, #tpu.memory_space<semaphore_mem>>
        %dma_start3A_59 = arith.constant 0 : i32
        %dma_start3A_60 = tpu.memref_slice %arg8[%add3A_58, %dma_start3A_59] : memref<160x128xi32, #tpu.memory_space<vmem>> -> memref<1x128xi32, #tpu.memory_space<vmem>>
        %dma_start3A_61 = tpu.memref_squeeze %dma_start3A_60 : memref<1x128xi32, #tpu.memory_space<vmem>> -> memref<128xi32, #tpu.memory_space<vmem>>
        %dma_start3A_62 = arith.constant 0 : i32
        %dma_start3A_63 = arith.constant 0 : i32
        %dma_start3A_64 = tpu.memref_slice %arg11[%dma_start3A_62, %dma_start3A_63] : memref<10240x64xf32, #tpu.memory_space<vmem_shared>> -> memref<10240x64xf32, #tpu.memory_space<vmem_shared>>
        tpu.enqueue_indirect_dma source(%arg10 : memref<128x64xf32, #tpu.memory_space<vmem>>) target(%dma_start3A_64 : memref<10240x64xf32, #tpu.memory_space<vmem_shared>>) offsets(%dma_start3A_61 : memref<128xi32, #tpu.memory_space<vmem>>) semaphore(%run_scoped3A : memref<!tpu.dma_semaphore, #tpu.memory_space<semaphore_mem>>) {add = true}
        %dma_wait3A_65 = arith.constant 0 : i32
        %dma_wait3A_66 = tpu.memref_slice %arg8[%add3A_58, %dma_wait3A_65] : memref<160x128xi32, #tpu.memory_space<vmem>> -> memref<1x128xi32, #tpu.memory_space<vmem>>
        %dma_wait3A_67 = tpu.memref_squeeze %dma_wait3A_66 : memref<1x128xi32, #tpu.memory_space<vmem>> -> memref<128xi32, #tpu.memory_space<vmem>>
        %dma_wait3A_68 = arith.constant 0 : i32
        %dma_wait3A_69 = arith.constant 0 : i32
        %dma_wait3A_70 = tpu.memref_slice %arg11[%dma_wait3A_68, %dma_wait3A_69] : memref<10240x64xf32, #tpu.memory_space<vmem_shared>> -> memref<10240x64xf32, #tpu.memory_space<vmem_shared>>
        tpu.wait_indirect_dma semaphore(%run_scoped3A : memref<!tpu.dma_semaphore, #tpu.memory_space<semaphore_mem>>) src(%arg10 : memref<128x64xf32, #tpu.memory_space<vmem>>) dst(%dma_wait3A_70 : memref<10240x64xf32, #tpu.memory_space<vmem_shared>>)
        tpu.yield
      }) : () -> ()
    }
    %scan3A_11 = arith.constant 79 : i32
    %dma_wait3A = arith.constant 0 : i32
    %dma_wait3A_12 = arith.constant 0 : i32
    %dma_wait3A_13 = tpu.memref_slice %arg7[%dma_wait3A, %dma_wait3A_12] : memref<160x128xi32, #tpu.memory_space<vmem>> -> memref<1x128xi32, #tpu.memory_space<vmem>>
    %dma_wait3A_14 = tpu.memref_squeeze %dma_wait3A_13 : memref<1x128xi32, #tpu.memory_space<vmem>> -> memref<128xi32, #tpu.memory_space<vmem>>
    %dma_wait3A_15 = arith.constant 0 : i32
    %dma_wait3A_16 = arith.constant 0 : i32
    %dma_wait3A_17 = tpu.memref_slice %arg2[%dma_wait3A_15, %dma_wait3A_16] : memref<20000x64xf32, #tpu.memory_space<hbm>> -> memref<20000x64xf32, #tpu.memory_space<hbm>>
    tpu.wait_indirect_dma semaphore(%arg12 : memref<!tpu.dma_semaphore, #tpu.memory_space<semaphore_mem>>) src(%dma_wait3A_17 : memref<20000x64xf32, #tpu.memory_space<hbm>>) dst(%arg9 : memref<128x64xf32, #tpu.memory_space<vmem>>)
    %barrier3A_18 = arith.constant 0 : index
    tpu.barrier barrier_id(%barrier3A_18)
    %lt3A = arith.constant 15 : i32
    %lt3A_19 = arith.cmpi slt, %arg1, %lt3A : i32
    %convert_element_type3A = arith.extui %lt3A_19 : i1 to i32
    %cond3A = arith.constant 0 : i32
    %cond3A_20 = arith.cmpi ne, %convert_element_type3A, %cond3A : i32
    scf.if %cond3A_20 {
      %mul3A_25 = arith.constant 640 : i32
      %mul3A_26 = arith.muli %arg1, %mul3A_25 : i32
      %mul3A_27 = arith.constant 10000 : i32
      %mul3A_28 = arith.muli %arg0, %mul3A_27 : i32
      %mul3A_29 = arith.constant 640 : i32
      %mul3A_30 = arith.muli %arg1, %mul3A_29 : i32
      %add3A = arith.addi %mul3A_28, %mul3A_30 : i32
      "tpu.region"() ({
        %run_scoped3A = tpu.sem_alloc : memref<!tpu.dma_semaphore, #tpu.memory_space<semaphore_mem>>
        %dma_start3A_31 = arith.constant 0 : i32
        %dma_start3A_32 = tpu.memref_slice %arg6[%add3A, %dma_start3A_31] : memref<20000x64xf32, #tpu.memory_space<hbm>> -> memref<640x64xf32, #tpu.memory_space<hbm>>
        %dma_start3A_33 = arith.constant 0 : i32
        %dma_start3A_34 = tpu.memref_slice %arg11[%mul3A_26, %dma_start3A_33] : memref<10240x64xf32, #tpu.memory_space<vmem_shared>> -> memref<640x64xf32, #tpu.memory_space<vmem_shared>>
        tpu.enqueue_dma source(%dma_start3A_34 : memref<640x64xf32, #tpu.memory_space<vmem_shared>>) target(%dma_start3A_32 : memref<640x64xf32, #tpu.memory_space<hbm>>) target_semaphore(%run_scoped3A : memref<!tpu.dma_semaphore, #tpu.memory_space<semaphore_mem>>)
        %dma_wait3A_35 = arith.constant 0 : i32
        %dma_wait3A_36 = tpu.memref_slice %arg6[%add3A, %dma_wait3A_35] : memref<20000x64xf32, #tpu.memory_space<hbm>> -> memref<640x64xf32, #tpu.memory_space<hbm>>
        %dma_wait3A_37 = arith.constant 0 : i32
        %dma_wait3A_38 = tpu.memref_slice %arg11[%mul3A_26, %dma_wait3A_37] : memref<10240x64xf32, #tpu.memory_space<vmem_shared>> -> memref<640x64xf32, #tpu.memory_space<vmem_shared>>
        tpu.wait_dma2 semaphore(%run_scoped3A : memref<!tpu.dma_semaphore, #tpu.memory_space<semaphore_mem>>) src(%dma_wait3A_38 : memref<640x64xf32, #tpu.memory_space<vmem_shared>>) dst(%dma_wait3A_36 : memref<640x64xf32, #tpu.memory_space<hbm>>)
        tpu.yield
      }) : () -> ()
    } else {
    }
    %eq3A = arith.constant 15 : i32
    %eq3A_21 = arith.cmpi eq, %arg1, %eq3A : i32
    %convert_element_type3A_22 = arith.extui %eq3A_21 : i1 to i32
    %cond3A_23 = arith.constant 0 : i32
    %cond3A_24 = arith.cmpi ne, %convert_element_type3A_22, %cond3A_23 : i32
    scf.if %cond3A_24 {
      %mul3A_25 = arith.constant 10000 : i32
      %mul3A_26 = arith.muli %arg0, %mul3A_25 : i32
      %add3A = arith.constant 9600 : i32
      %add3A_27 = arith.addi %mul3A_26, %add3A : i32
      "tpu.region"() ({
        %run_scoped3A = tpu.sem_alloc : memref<!tpu.dma_semaphore, #tpu.memory_space<semaphore_mem>>
        %dma_start3A_28 = arith.constant 0 : i32
        %dma_start3A_29 = tpu.memref_slice %arg6[%add3A_27, %dma_start3A_28] : memref<20000x64xf32, #tpu.memory_space<hbm>> -> memref<400x64xf32, #tpu.memory_space<hbm>>
        %dma_start3A_30 = arith.constant 9600 : i32
        %dma_start3A_31 = arith.constant 0 : i32
        %dma_start3A_32 = tpu.memref_slice %arg11[%dma_start3A_30, %dma_start3A_31] : memref<10240x64xf32, #tpu.memory_space<vmem_shared>> -> memref<400x64xf32, #tpu.memory_space<vmem_shared>>
        tpu.enqueue_dma source(%dma_start3A_32 : memref<400x64xf32, #tpu.memory_space<vmem_shared>>) target(%dma_start3A_29 : memref<400x64xf32, #tpu.memory_space<hbm>>) target_semaphore(%run_scoped3A : memref<!tpu.dma_semaphore, #tpu.memory_space<semaphore_mem>>)
        %dma_wait3A_33 = arith.constant 0 : i32
        %dma_wait3A_34 = tpu.memref_slice %arg6[%add3A_27, %dma_wait3A_33] : memref<20000x64xf32, #tpu.memory_space<hbm>> -> memref<400x64xf32, #tpu.memory_space<hbm>>
        %dma_wait3A_35 = arith.constant 9600 : i32
        %dma_wait3A_36 = arith.constant 0 : i32
        %dma_wait3A_37 = tpu.memref_slice %arg11[%dma_wait3A_35, %dma_wait3A_36] : memref<10240x64xf32, #tpu.memory_space<vmem_shared>> -> memref<400x64xf32, #tpu.memory_space<vmem_shared>>
        tpu.wait_dma2 semaphore(%run_scoped3A : memref<!tpu.dma_semaphore, #tpu.memory_space<semaphore_mem>>) src(%dma_wait3A_37 : memref<400x64xf32, #tpu.memory_space<vmem_shared>>) dst(%dma_wait3A_34 : memref<400x64xf32, #tpu.memory_space<hbm>>)
        tpu.yield
      }) : () -> ()
    } else {
    }
    return
  }
}

#map = affine_map<(d0, d1) -> (0, 0, 0, 0)>
#map1 = affine_map<(d0, d1) -> (0, 0)>
module attributes {stable_mosaic.version = 14 : i64} {
  func.func @_deg_kernel(%arg0: i32, %arg1: i32, %arg2: memref<2x16x160x128xi32, #tpu.memory_space<hbm>>, %arg3: memref<640x8xf32, #tpu.memory_space<hbm>>, %arg4: memref<20000x8xf32, #tpu.memory_space<hbm>>, %arg5: memref<160x128xi32, #tpu.memory_space<vmem>>, %arg6: memref<128x8xf32, #tpu.memory_space<vmem>>, %arg7: memref<10240x8xf32, #tpu.memory_space<vmem_shared>>) attributes {dimension_semantics = [#tpu.dimension_semantics<core_parallel>, #tpu.dimension_semantics<subcore_parallel>], iteration_bounds = array<i64: 2, 16>, scalar_prefetch = 0 : i64, scratch_operands = 3 : i64, tpu.core_type = #tpu.core_type<sc_vector_subcore>, window_params = [{transform_indices = #map}, {transform_indices = #map1}, {transform_indices = #map1}]} {
    %mul3A = arith.constant 640 : i32
    %mul3A_0 = arith.muli %arg1, %mul3A : i32
    "tpu.region"() ({
      %run_scoped3A = tpu.sem_alloc : memref<!tpu.dma_semaphore, #tpu.memory_space<semaphore_mem>>
      %dma_start3A = arith.constant 0 : i32
      %dma_start3A_13 = tpu.memref_slice %arg7[%mul3A_0, %dma_start3A] : memref<10240x8xf32, #tpu.memory_space<vmem_shared>> -> memref<640x8xf32, #tpu.memory_space<vmem_shared>>
      tpu.enqueue_dma source(%arg3 : memref<640x8xf32, #tpu.memory_space<hbm>>) target(%dma_start3A_13 : memref<640x8xf32, #tpu.memory_space<vmem_shared>>) target_semaphore(%run_scoped3A : memref<!tpu.dma_semaphore, #tpu.memory_space<semaphore_mem>>)
      %dma_wait3A = arith.constant 0 : i32
      %dma_wait3A_14 = tpu.memref_slice %arg7[%mul3A_0, %dma_wait3A] : memref<10240x8xf32, #tpu.memory_space<vmem_shared>> -> memref<640x8xf32, #tpu.memory_space<vmem_shared>>
      tpu.wait_dma2 semaphore(%run_scoped3A : memref<!tpu.dma_semaphore, #tpu.memory_space<semaphore_mem>>) src(%arg3 : memref<640x8xf32, #tpu.memory_space<hbm>>) dst(%dma_wait3A_14 : memref<640x8xf32, #tpu.memory_space<vmem_shared>>)
      tpu.yield
    }) : () -> ()
    "tpu.region"() ({
      %run_scoped3A = tpu.sem_alloc : memref<!tpu.dma_semaphore, #tpu.memory_space<semaphore_mem>>
      %dma_start3A = arith.constant 0 : i32
      %dma_start3A_13 = arith.constant 0 : i32
      %dma_start3A_14 = tpu.memref_slice %arg2[%arg0, %arg1, %dma_start3A, %dma_start3A_13] : memref<2x16x160x128xi32, #tpu.memory_space<hbm>> -> memref<1x1x160x128xi32, #tpu.memory_space<hbm>>
      %dma_start3A_15 = tpu.memref_squeeze %dma_start3A_14 : memref<1x1x160x128xi32, #tpu.memory_space<hbm>> -> memref<160x128xi32, #tpu.memory_space<hbm>>
      %dma_start3A_16 = arith.constant 0 : i32
      %dma_start3A_17 = arith.constant 0 : i32
      %dma_start3A_18 = tpu.memref_slice %arg2[%arg0, %arg1, %dma_start3A_16, %dma_start3A_17] : memref<2x16x160x128xi32, #tpu.memory_space<hbm>> -> memref<1x1x160x128xi32, #tpu.memory_space<hbm>>
      %dma_start3A_19 = tpu.memref_squeeze %dma_start3A_18 : memref<1x1x160x128xi32, #tpu.memory_space<hbm>> -> memref<160x128xi32, #tpu.memory_space<hbm>>
      tpu.enqueue_dma source(%dma_start3A_19 : memref<160x128xi32, #tpu.memory_space<hbm>>) target(%arg5 : memref<160x128xi32, #tpu.memory_space<vmem>>) target_semaphore(%run_scoped3A : memref<!tpu.dma_semaphore, #tpu.memory_space<semaphore_mem>>)
      %dma_wait3A = arith.constant 0 : i32
      %dma_wait3A_20 = arith.constant 0 : i32
      %dma_wait3A_21 = tpu.memref_slice %arg2[%arg0, %arg1, %dma_wait3A, %dma_wait3A_20] : memref<2x16x160x128xi32, #tpu.memory_space<hbm>> -> memref<1x1x160x128xi32, #tpu.memory_space<hbm>>
      %dma_wait3A_22 = tpu.memref_squeeze %dma_wait3A_21 : memref<1x1x160x128xi32, #tpu.memory_space<hbm>> -> memref<160x128xi32, #tpu.memory_space<hbm>>
      %dma_wait3A_23 = arith.constant 0 : i32
      %dma_wait3A_24 = arith.constant 0 : i32
      %dma_wait3A_25 = tpu.memref_slice %arg2[%arg0, %arg1, %dma_wait3A_23, %dma_wait3A_24] : memref<2x16x160x128xi32, #tpu.memory_space<hbm>> -> memref<1x1x160x128xi32, #tpu.memory_space<hbm>>
      %dma_wait3A_26 = tpu.memref_squeeze %dma_wait3A_25 : memref<1x1x160x128xi32, #tpu.memory_space<hbm>> -> memref<160x128xi32, #tpu.memory_space<hbm>>
      tpu.wait_dma2 semaphore(%run_scoped3A : memref<!tpu.dma_semaphore, #tpu.memory_space<semaphore_mem>>) src(%dma_wait3A_26 : memref<160x128xi32, #tpu.memory_space<hbm>>) dst(%arg5 : memref<160x128xi32, #tpu.memory_space<vmem>>)
      tpu.yield
    }) : () -> ()
    "tpu.region"() ({
      %run_scoped3A = tpu.sem_alloc : memref<!tpu.dma_semaphore, #tpu.memory_space<semaphore_mem>>
      %dma_start3A = arith.constant 0 : i32
      %dma_start3A_13 = arith.constant 0 : i32
      %dma_start3A_14 = tpu.memref_slice %arg3[%dma_start3A, %dma_start3A_13] : memref<640x8xf32, #tpu.memory_space<hbm>> -> memref<128x8xf32, #tpu.memory_space<hbm>>
      %dma_start3A_15 = arith.constant 0 : i32
      %dma_start3A_16 = arith.constant 0 : i32
      %dma_start3A_17 = tpu.memref_slice %arg3[%dma_start3A_15, %dma_start3A_16] : memref<640x8xf32, #tpu.memory_space<hbm>> -> memref<128x8xf32, #tpu.memory_space<hbm>>
      tpu.enqueue_dma source(%dma_start3A_17 : memref<128x8xf32, #tpu.memory_space<hbm>>) target(%arg6 : memref<128x8xf32, #tpu.memory_space<vmem>>) target_semaphore(%run_scoped3A : memref<!tpu.dma_semaphore, #tpu.memory_space<semaphore_mem>>)
      %dma_wait3A = arith.constant 0 : i32
      %dma_wait3A_18 = arith.constant 0 : i32
      %dma_wait3A_19 = tpu.memref_slice %arg3[%dma_wait3A, %dma_wait3A_18] : memref<640x8xf32, #tpu.memory_space<hbm>> -> memref<128x8xf32, #tpu.memory_space<hbm>>
      %dma_wait3A_20 = arith.constant 0 : i32
      %dma_wait3A_21 = arith.constant 0 : i32
      %dma_wait3A_22 = tpu.memref_slice %arg3[%dma_wait3A_20, %dma_wait3A_21] : memref<640x8xf32, #tpu.memory_space<hbm>> -> memref<128x8xf32, #tpu.memory_space<hbm>>
      tpu.wait_dma2 semaphore(%run_scoped3A : memref<!tpu.dma_semaphore, #tpu.memory_space<semaphore_mem>>) src(%dma_wait3A_22 : memref<128x8xf32, #tpu.memory_space<hbm>>) dst(%arg6 : memref<128x8xf32, #tpu.memory_space<vmem>>)
      tpu.yield
    }) : () -> ()
    %barrier3A = arith.constant 0 : index
    tpu.barrier barrier_id(%barrier3A)
    %scan3A = arith.constant 0 : i32
    %scan3A_1 = arith.constant 0 : i32
    %scan3A_2 = arith.constant 158 : i32
    %scan3A_3 = arith.addi %scan3A_1, %scan3A_2 : i32
    %scan3A_4 = arith.constant 1 : i32
    scf.for %scan3A_13 = %scan3A_1 to %scan3A_3 step %scan3A_4  : i32 {
      "tpu.region"() ({
        %run_scoped3A = tpu.sem_alloc : memref<!tpu.dma_semaphore, #tpu.memory_space<semaphore_mem>>
        %dma_start3A = arith.constant 0 : i32
        %dma_start3A_14 = tpu.memref_slice %arg5[%scan3A_13, %dma_start3A] : memref<160x128xi32, #tpu.memory_space<vmem>> -> memref<1x128xi32, #tpu.memory_space<vmem>>
        %dma_start3A_15 = tpu.memref_squeeze %dma_start3A_14 : memref<1x128xi32, #tpu.memory_space<vmem>> -> memref<128xi32, #tpu.memory_space<vmem>>
        %dma_start3A_16 = arith.constant 0 : i32
        %dma_start3A_17 = arith.constant 0 : i32
        %dma_start3A_18 = tpu.memref_slice %arg7[%dma_start3A_16, %dma_start3A_17] : memref<10240x8xf32, #tpu.memory_space<vmem_shared>> -> memref<10240x8xf32, #tpu.memory_space<vmem_shared>>
        tpu.enqueue_indirect_dma source(%arg6 : memref<128x8xf32, #tpu.memory_space<vmem>>) target(%dma_start3A_18 : memref<10240x8xf32, #tpu.memory_space<vmem_shared>>) offsets(%dma_start3A_15 : memref<128xi32, #tpu.memory_space<vmem>>) semaphore(%run_scoped3A : memref<!tpu.dma_semaphore, #tpu.memory_space<semaphore_mem>>) {add = true}
        %dma_wait3A = arith.constant 0 : i32
        %dma_wait3A_19 = tpu.memref_slice %arg5[%scan3A_13, %dma_wait3A] : memref<160x128xi32, #tpu.memory_space<vmem>> -> memref<1x128xi32, #tpu.memory_space<vmem>>
        %dma_wait3A_20 = tpu.memref_squeeze %dma_wait3A_19 : memref<1x128xi32, #tpu.memory_space<vmem>> -> memref<128xi32, #tpu.memory_space<vmem>>
        %dma_wait3A_21 = arith.constant 0 : i32
        %dma_wait3A_22 = arith.constant 0 : i32
        %dma_wait3A_23 = tpu.memref_slice %arg7[%dma_wait3A_21, %dma_wait3A_22] : memref<10240x8xf32, #tpu.memory_space<vmem_shared>> -> memref<10240x8xf32, #tpu.memory_space<vmem_shared>>
        tpu.wait_indirect_dma semaphore(%run_scoped3A : memref<!tpu.dma_semaphore, #tpu.memory_space<semaphore_mem>>) src(%arg6 : memref<128x8xf32, #tpu.memory_space<vmem>>) dst(%dma_wait3A_23 : memref<10240x8xf32, #tpu.memory_space<vmem_shared>>)
        tpu.yield
      }) : () -> ()
    }
    %scan3A_5 = arith.constant 158 : i32
    %barrier3A_6 = arith.constant 0 : index
    tpu.barrier barrier_id(%barrier3A_6)
    %lt3A = arith.constant 15 : i32
    %lt3A_7 = arith.cmpi slt, %arg1, %lt3A : i32
    %convert_element_type3A = arith.extui %lt3A_7 : i1 to i32
    %cond3A = arith.constant 0 : i32
    %cond3A_8 = arith.cmpi ne, %convert_element_type3A, %cond3A : i32
    scf.if %cond3A_8 {
      %mul3A_13 = arith.constant 640 : i32
      %mul3A_14 = arith.muli %arg1, %mul3A_13 : i32
      %mul3A_15 = arith.constant 10000 : i32
      %mul3A_16 = arith.muli %arg0, %mul3A_15 : i32
      %mul3A_17 = arith.constant 640 : i32
      %mul3A_18 = arith.muli %arg1, %mul3A_17 : i32
      %add3A = arith.addi %mul3A_16, %mul3A_18 : i32
      "tpu.region"() ({
        %run_scoped3A = tpu.sem_alloc : memref<!tpu.dma_semaphore, #tpu.memory_space<semaphore_mem>>
        %dma_start3A = arith.constant 0 : i32
        %dma_start3A_19 = tpu.memref_slice %arg4[%add3A, %dma_start3A] : memref<20000x8xf32, #tpu.memory_space<hbm>> -> memref<640x8xf32, #tpu.memory_space<hbm>>
        %dma_start3A_20 = arith.constant 0 : i32
        %dma_start3A_21 = tpu.memref_slice %arg7[%mul3A_14, %dma_start3A_20] : memref<10240x8xf32, #tpu.memory_space<vmem_shared>> -> memref<640x8xf32, #tpu.memory_space<vmem_shared>>
        tpu.enqueue_dma source(%dma_start3A_21 : memref<640x8xf32, #tpu.memory_space<vmem_shared>>) target(%dma_start3A_19 : memref<640x8xf32, #tpu.memory_space<hbm>>) target_semaphore(%run_scoped3A : memref<!tpu.dma_semaphore, #tpu.memory_space<semaphore_mem>>)
        %dma_wait3A = arith.constant 0 : i32
        %dma_wait3A_22 = tpu.memref_slice %arg4[%add3A, %dma_wait3A] : memref<20000x8xf32, #tpu.memory_space<hbm>> -> memref<640x8xf32, #tpu.memory_space<hbm>>
        %dma_wait3A_23 = arith.constant 0 : i32
        %dma_wait3A_24 = tpu.memref_slice %arg7[%mul3A_14, %dma_wait3A_23] : memref<10240x8xf32, #tpu.memory_space<vmem_shared>> -> memref<640x8xf32, #tpu.memory_space<vmem_shared>>
        tpu.wait_dma2 semaphore(%run_scoped3A : memref<!tpu.dma_semaphore, #tpu.memory_space<semaphore_mem>>) src(%dma_wait3A_24 : memref<640x8xf32, #tpu.memory_space<vmem_shared>>) dst(%dma_wait3A_22 : memref<640x8xf32, #tpu.memory_space<hbm>>)
        tpu.yield
      }) : () -> ()
    } else {
    }
    %eq3A = arith.constant 15 : i32
    %eq3A_9 = arith.cmpi eq, %arg1, %eq3A : i32
    %convert_element_type3A_10 = arith.extui %eq3A_9 : i1 to i32
    %cond3A_11 = arith.constant 0 : i32
    %cond3A_12 = arith.cmpi ne, %convert_element_type3A_10, %cond3A_11 : i32
    scf.if %cond3A_12 {
      %mul3A_13 = arith.constant 10000 : i32
      %mul3A_14 = arith.muli %arg0, %mul3A_13 : i32
      %add3A = arith.constant 9600 : i32
      %add3A_15 = arith.addi %mul3A_14, %add3A : i32
      "tpu.region"() ({
        %run_scoped3A = tpu.sem_alloc : memref<!tpu.dma_semaphore, #tpu.memory_space<semaphore_mem>>
        %dma_start3A = arith.constant 0 : i32
        %dma_start3A_16 = tpu.memref_slice %arg4[%add3A_15, %dma_start3A] : memref<20000x8xf32, #tpu.memory_space<hbm>> -> memref<400x8xf32, #tpu.memory_space<hbm>>
        %dma_start3A_17 = arith.constant 9600 : i32
        %dma_start3A_18 = arith.constant 0 : i32
        %dma_start3A_19 = tpu.memref_slice %arg7[%dma_start3A_17, %dma_start3A_18] : memref<10240x8xf32, #tpu.memory_space<vmem_shared>> -> memref<400x8xf32, #tpu.memory_space<vmem_shared>>
        tpu.enqueue_dma source(%dma_start3A_19 : memref<400x8xf32, #tpu.memory_space<vmem_shared>>) target(%dma_start3A_16 : memref<400x8xf32, #tpu.memory_space<hbm>>) target_semaphore(%run_scoped3A : memref<!tpu.dma_semaphore, #tpu.memory_space<semaphore_mem>>)
        %dma_wait3A = arith.constant 0 : i32
        %dma_wait3A_20 = tpu.memref_slice %arg4[%add3A_15, %dma_wait3A] : memref<20000x8xf32, #tpu.memory_space<hbm>> -> memref<400x8xf32, #tpu.memory_space<hbm>>
        %dma_wait3A_21 = arith.constant 9600 : i32
        %dma_wait3A_22 = arith.constant 0 : i32
        %dma_wait3A_23 = tpu.memref_slice %arg7[%dma_wait3A_21, %dma_wait3A_22] : memref<10240x8xf32, #tpu.memory_space<vmem_shared>> -> memref<400x8xf32, #tpu.memory_space<vmem_shared>>
        tpu.wait_dma2 semaphore(%run_scoped3A : memref<!tpu.dma_semaphore, #tpu.memory_space<semaphore_mem>>) src(%dma_wait3A_23 : memref<400x8xf32, #tpu.memory_space<vmem_shared>>) dst(%dma_wait3A_20 : memref<400x8xf32, #tpu.memory_space<hbm>>)
        tpu.yield
      }) : () -> ()
    } else {
    }
    return
  }
}

module attributes {stable_mosaic.version = 14 : i64} {
  func.func @_stage_a_body(%arg0: i32, %arg1: i32, %arg2: memref<1x2000x128xf32, #tpu.memory_space<vmem>>, %arg3: memref<1x128x64xf32, #tpu.memory_space<vmem>>, %arg4: memref<1x2000x1xf32, #tpu.memory_space<vmem>>, %arg5: memref<1x2000x64xf32, #tpu.memory_space<vmem>>) attributes {dimension_semantics = [#tpu.dimension_semantics<arbitrary>, #tpu.dimension_semantics<arbitrary>], iteration_bounds = array<i64: 2, 5>, scalar_prefetch = 0 : i64, scratch_operands = 0 : i64, tpu.core_type = #tpu.core_type<tc>, window_params = [{transform_indices = @transform_0, window_bounds = array<i64: 1, 2000, 128>}, {transform_indices = @transform_1, window_bounds = array<i64: 1, 128, 64>}, {transform_indices = @transform_2, window_bounds = array<i64: 1, 2000, 1>}, {transform_indices = @transform_3, window_bounds = array<i64: 1, 2000, 64>}]} {
    %get3A = arith.constant 0 : index
    %get3A_0 = arith.constant 0 : index
    %get3A_1 = arith.constant 0 : index
    %get3A_2 = vector.load %arg4[%get3A, %get3A_0, %get3A_1] : memref<1x2000x1xf32, #tpu.memory_space<vmem>>, vector<1x2000x1xf32>
    %get3A_3 = vector.shape_cast %get3A_2 : vector<1x2000x1xf32> to vector<2000x1xf32>
    %rsqrt3A = math.rsqrt %get3A_3 : vector<2000x1xf32>
    %get3A_4 = arith.constant 0 : index
    %get3A_5 = arith.constant 0 : index
    %get3A_6 = arith.constant 0 : index
    %get3A_7 = vector.load %arg2[%get3A_4, %get3A_5, %get3A_6] : memref<1x2000x128xf32, #tpu.memory_space<vmem>>, vector<1x2000x128xf32>
    %get3A_8 = vector.shape_cast %get3A_7 : vector<1x2000x128xf32> to vector<2000x128xf32>
    %get3A_9 = arith.constant 0 : index
    %get3A_10 = arith.constant 0 : index
    %get3A_11 = arith.constant 0 : index
    %get3A_12 = vector.load %arg3[%get3A_9, %get3A_10, %get3A_11] : memref<1x128x64xf32, #tpu.memory_space<vmem>>, vector<1x128x64xf32>
    %get3A_13 = vector.shape_cast %get3A_12 : vector<1x128x64xf32> to vector<128x64xf32>
    %dot_general3A = arith.constant dense<0.000000e+00> : vector<2000x64xf32>
    %dot_general3A_14 = tpu.matmul %get3A_8, %get3A_13, %dot_general3A {dimension_numbers = #tpu.dot_dimension_numbers<[1], [0], [0], [1], [0, 0, 1, 1], [], []>, transpose_lhs_hint = false} : vector<2000x128xf32>, vector<128x64xf32>, vector<2000x64xf32> -> vector<2000x64xf32>
    %mul3A = vector.broadcast %rsqrt3A : vector<2000x1xf32> to vector<2000x64xf32>
    %mul3A_15 = arith.mulf %dot_general3A_14, %mul3A : vector<2000x64xf32>
    %swap3A = arith.constant 0 : index
    %swap3A_16 = arith.constant 0 : index
    %swap3A_17 = arith.constant 0 : index
    %swap3A_18 = vector.load %arg5[%swap3A, %swap3A_16, %swap3A_17] : memref<1x2000x64xf32, #tpu.memory_space<vmem>>, vector<1x2000x64xf32>
    %swap3A_19 = vector.shape_cast %swap3A_18 : vector<1x2000x64xf32> to vector<2000x64xf32>
    %swap3A_20 = vector.shape_cast %mul3A_15 : vector<2000x64xf32> to vector<1x2000x64xf32>
    tpu.vector_store %arg5[%swap3A, %swap3A_16, %swap3A_17], %swap3A_20 {strides = array<i32>} : memref<1x2000x64xf32, #tpu.memory_space<vmem>>, vector<1x2000x64xf32>,
    return
  }
  func.func @transform_0(%arg0: i32, %arg1: i32) -> (i32, i32, i32) {
    %c0_i32 = arith.constant 0 : i32
    %c0_i32_0 = arith.constant 0 : i32
    return %arg0, %arg1, %c0_i32 : i32, i32, i32
  }
  func.func @transform_1(%arg0: i32, %arg1: i32) -> (i32, i32, i32) {
    %c0_i32 = arith.constant 0 : i32
    %c0_i32_0 = arith.constant 0 : i32
    %c0_i32_1 = arith.constant 0 : i32
    return %arg0, %c0_i32, %c0_i32_0 : i32, i32, i32
  }
  func.func @transform_2(%arg0: i32, %arg1: i32) -> (i32, i32, i32) {
    %c0_i32 = arith.constant 0 : i32
    %c0_i32_0 = arith.constant 0 : i32
    return %arg0, %arg1, %c0_i32 : i32, i32, i32
  }
  func.func @transform_3(%arg0: i32, %arg1: i32) -> (i32, i32, i32) {
    %c0_i32 = arith.constant 0 : i32
    %c0_i32_0 = arith.constant 0 : i32
    return %arg0, %arg1, %c0_i32 : i32, i32, i32
  }
}

module attributes {stable_mosaic.version = 14 : i64} {
  func.func @_stage_b_body(%arg0: i32, %arg1: i32, %arg2: memref<1x2000x64xf32, #tpu.memory_space<vmem>>, %arg3: memref<1x2000x64xf32, #tpu.memory_space<vmem>>, %arg4: memref<1x2000x1xf32, #tpu.memory_space<vmem>>, %arg5: memref<1x1x64xf32, #tpu.memory_space<vmem>>, %arg6: memref<1x2000x64xf32, #tpu.memory_space<vmem>>) attributes {dimension_semantics = [#tpu.dimension_semantics<arbitrary>, #tpu.dimension_semantics<arbitrary>], iteration_bounds = array<i64: 2, 5>, scalar_prefetch = 0 : i64, scratch_operands = 0 : i64, tpu.core_type = #tpu.core_type<tc>, window_params = [{transform_indices = @transform_0, window_bounds = array<i64: 1, 2000, 64>}, {transform_indices = @transform_1, window_bounds = array<i64: 1, 2000, 64>}, {transform_indices = @transform_2, window_bounds = array<i64: 1, 2000, 1>}, {transform_indices = @transform_3, window_bounds = array<i64: 1, 1, 64>}, {transform_indices = @transform_4, window_bounds = array<i64: 1, 2000, 64>}]} {
    %get3A = arith.constant 0 : index
    %get3A_0 = arith.constant 0 : index
    %get3A_1 = arith.constant 0 : index
    %get3A_2 = vector.load %arg4[%get3A, %get3A_0, %get3A_1] : memref<1x2000x1xf32, #tpu.memory_space<vmem>>, vector<1x2000x1xf32>
    %get3A_3 = vector.shape_cast %get3A_2 : vector<1x2000x1xf32> to vector<2000x1xf32>
    %rsqrt3A = math.rsqrt %get3A_3 : vector<2000x1xf32>
    %get3A_4 = arith.constant 0 : index
    %get3A_5 = arith.constant 0 : index
    %get3A_6 = arith.constant 0 : index
    %get3A_7 = vector.load %arg2[%get3A_4, %get3A_5, %get3A_6] : memref<1x2000x64xf32, #tpu.memory_space<vmem>>, vector<1x2000x64xf32>
    %get3A_8 = vector.shape_cast %get3A_7 : vector<1x2000x64xf32> to vector<2000x64xf32>
    %get3A_9 = arith.constant 0 : index
    %get3A_10 = arith.constant 0 : index
    %get3A_11 = arith.constant 0 : index
    %get3A_12 = vector.load %arg3[%get3A_9, %get3A_10, %get3A_11] : memref<1x2000x64xf32, #tpu.memory_space<vmem>>, vector<1x2000x64xf32>
    %get3A_13 = vector.shape_cast %get3A_12 : vector<1x2000x64xf32> to vector<2000x64xf32>
    %add3A = arith.addf %get3A_8, %get3A_13 : vector<2000x64xf32>
    %mul3A = vector.broadcast %rsqrt3A : vector<2000x1xf32> to vector<2000x64xf32>
    %mul3A_14 = arith.mulf %mul3A, %add3A : vector<2000x64xf32>
    %get3A_15 = arith.constant 0 : index
    %get3A_16 = arith.constant 0 : index
    %get3A_17 = arith.constant 0 : index
    %get3A_18 = vector.load %arg5[%get3A_15, %get3A_16, %get3A_17] : memref<1x1x64xf32, #tpu.memory_space<vmem>>, vector<1x1x64xf32>
    %get3A_19 = vector.shape_cast %get3A_18 : vector<1x1x64xf32> to vector<1x64xf32>
    %add3A_20 = vector.broadcast %get3A_19 : vector<1x64xf32> to vector<2000x64xf32>
    %add3A_21 = arith.addf %mul3A_14, %add3A_20 : vector<2000x64xf32>
    %gt3A = arith.constant 0.000000e+00 : f32
    %gt3A_22 = vector.broadcast %gt3A : f32 to vector<2000x64xf32>
    %gt3A_23 = arith.cmpf ogt, %add3A_21, %gt3A_22 : vector<2000x64xf32>
    %exp3A = math.exp %add3A_21 : vector<2000x64xf32>
    %sub3A = arith.constant 1.000000e+00 : f32
    %sub3A_24 = vector.broadcast %sub3A : f32 to vector<2000x64xf32>
    %sub3A_25 = arith.subf %exp3A, %sub3A_24 : vector<2000x64xf32>
    %select_n3A = arith.select %gt3A_23, %add3A_21, %sub3A_25 : vector<2000x64xi1>, vector<2000x64xf32>
    %mul3A_26 = vector.broadcast %rsqrt3A : vector<2000x1xf32> to vector<2000x64xf32>
    %mul3A_27 = arith.mulf %mul3A_26, %select_n3A : vector<2000x64xf32>
    %swap3A = arith.constant 0 : index
    %swap3A_28 = arith.constant 0 : index
    %swap3A_29 = arith.constant 0 : index
    %swap3A_30 = vector.load %arg6[%swap3A, %swap3A_28, %swap3A_29] : memref<1x2000x64xf32, #tpu.memory_space<vmem>>, vector<1x2000x64xf32>
    %swap3A_31 = vector.shape_cast %swap3A_30 : vector<1x2000x64xf32> to vector<2000x64xf32>
    %swap3A_32 = vector.shape_cast %mul3A_27 : vector<2000x64xf32> to vector<1x2000x64xf32>
    tpu.vector_store %arg6[%swap3A, %swap3A_28, %swap3A_29], %swap3A_32 {strides = array<i32>} : memref<1x2000x64xf32, #tpu.memory_space<vmem>>, vector<1x2000x64xf32>,
    return
  }
  func.func @transform_0(%arg0: i32, %arg1: i32) -> (i32, i32, i32) {
    %c0_i32 = arith.constant 0 : i32
    %c0_i32_0 = arith.constant 0 : i32
    return %arg0, %arg1, %c0_i32 : i32, i32, i32
  }
  func.func @transform_1(%arg0: i32, %arg1: i32) -> (i32, i32, i32) {
    %c0_i32 = arith.constant 0 : i32
    %c0_i32_0 = arith.constant 0 : i32
    return %arg0, %arg1, %c0_i32 : i32, i32, i32
  }
  func.func @transform_2(%arg0: i32, %arg1: i32) -> (i32, i32, i32) {
    %c0_i32 = arith.constant 0 : i32
    %c0_i32_0 = arith.constant 0 : i32
    return %arg0, %arg1, %c0_i32 : i32, i32, i32
  }
  func.func @transform_3(%arg0: i32, %arg1: i32) -> (i32, i32, i32) {
    %c0_i32 = arith.constant 0 : i32
    %c0_i32_0 = arith.constant 0 : i32
    %c0_i32_1 = arith.constant 0 : i32
    return %arg0, %c0_i32, %c0_i32_0 : i32, i32, i32
  }
  func.func @transform_4(%arg0: i32, %arg1: i32) -> (i32, i32, i32) {
    %c0_i32 = arith.constant 0 : i32
    %c0_i32_0 = arith.constant 0 : i32
    return %arg0, %arg1, %c0_i32 : i32, i32, i32
  }
}

module attributes {stable_mosaic.version = 14 : i64} {
  func.func @_stage_c_body(%arg0: i32, %arg1: i32, %arg2: memref<1x2000x64xf32, #tpu.memory_space<vmem>>, %arg3: memref<1x2000x64xf32, #tpu.memory_space<vmem>>, %arg4: memref<1x2000x1xf32, #tpu.memory_space<vmem>>, %arg5: memref<1x64x128xf32, #tpu.memory_space<vmem>>, %arg6: memref<1x1x128xf32, #tpu.memory_space<vmem>>, %arg7: memref<1x2000x128xf32, #tpu.memory_space<vmem>>) attributes {dimension_semantics = [#tpu.dimension_semantics<arbitrary>, #tpu.dimension_semantics<arbitrary>], iteration_bounds = array<i64: 2, 5>, scalar_prefetch = 0 : i64, scratch_operands = 0 : i64, tpu.core_type = #tpu.core_type<tc>, window_params = [{transform_indices = @transform_0, window_bounds = array<i64: 1, 2000, 64>}, {transform_indices = @transform_1, window_bounds = array<i64: 1, 2000, 64>}, {transform_indices = @transform_2, window_bounds = array<i64: 1, 2000, 1>}, {transform_indices = @transform_3, window_bounds = array<i64: 1, 64, 128>}, {transform_indices = @transform_4, window_bounds = array<i64: 1, 1, 128>}, {transform_indices = @transform_5, window_bounds = array<i64: 1, 2000, 128>}]} {
    %get3A = arith.constant 0 : index
    %get3A_0 = arith.constant 0 : index
    %get3A_1 = arith.constant 0 : index
    %get3A_2 = vector.load %arg4[%get3A, %get3A_0, %get3A_1] : memref<1x2000x1xf32, #tpu.memory_space<vmem>>, vector<1x2000x1xf32>
    %get3A_3 = vector.shape_cast %get3A_2 : vector<1x2000x1xf32> to vector<2000x1xf32>
    %rsqrt3A = math.rsqrt %get3A_3 : vector<2000x1xf32>
    %get3A_4 = arith.constant 0 : index
    %get3A_5 = arith.constant 0 : index
    %get3A_6 = arith.constant 0 : index
    %get3A_7 = vector.load %arg2[%get3A_4, %get3A_5, %get3A_6] : memref<1x2000x64xf32, #tpu.memory_space<vmem>>, vector<1x2000x64xf32>
    %get3A_8 = vector.shape_cast %get3A_7 : vector<1x2000x64xf32> to vector<2000x64xf32>
    %get3A_9 = arith.constant 0 : index
    %get3A_10 = arith.constant 0 : index
    %get3A_11 = arith.constant 0 : index
    %get3A_12 = vector.load %arg3[%get3A_9, %get3A_10, %get3A_11] : memref<1x2000x64xf32, #tpu.memory_space<vmem>>, vector<1x2000x64xf32>
    %get3A_13 = vector.shape_cast %get3A_12 : vector<1x2000x64xf32> to vector<2000x64xf32>
    %add3A = arith.addf %get3A_8, %get3A_13 : vector<2000x64xf32>
    %mul3A = vector.broadcast %rsqrt3A : vector<2000x1xf32> to vector<2000x64xf32>
    %mul3A_14 = arith.mulf %mul3A, %add3A : vector<2000x64xf32>
    %get3A_15 = arith.constant 0 : index
    %get3A_16 = arith.constant 0 : index
    %get3A_17 = arith.constant 0 : index
    %get3A_18 = vector.load %arg5[%get3A_15, %get3A_16, %get3A_17] : memref<1x64x128xf32, #tpu.memory_space<vmem>>, vector<1x64x128xf32>
    %get3A_19 = vector.shape_cast %get3A_18 : vector<1x64x128xf32> to vector<64x128xf32>
    %dot_general3A = arith.constant dense<0.000000e+00> : vector<2000x128xf32>
    %dot_general3A_20 = tpu.matmul %mul3A_14, %get3A_19, %dot_general3A {dimension_numbers = #tpu.dot_dimension_numbers<[1], [0], [0], [1], [0, 0, 1, 1], [], []>, transpose_lhs_hint = false} : vector<2000x64xf32>, vector<64x128xf32>, vector<2000x128xf32> -> vector<2000x128xf32>
    %get3A_21 = arith.constant 0 : index
    %get3A_22 = arith.constant 0 : index
    %get3A_23 = arith.constant 0 : index
    %get3A_24 = vector.load %arg6[%get3A_21, %get3A_22, %get3A_23] : memref<1x1x128xf32, #tpu.memory_space<vmem>>, vector<1x1x128xf32>
    %get3A_25 = vector.shape_cast %get3A_24 : vector<1x1x128xf32> to vector<1x128xf32>
    %add3A_26 = vector.broadcast %get3A_25 : vector<1x128xf32> to vector<2000x128xf32>
    %add3A_27 = arith.addf %dot_general3A_20, %add3A_26 : vector<2000x128xf32>
    %gt3A = arith.constant 0.000000e+00 : f32
    %gt3A_28 = vector.broadcast %gt3A : f32 to vector<2000x128xf32>
    %gt3A_29 = arith.cmpf ogt, %add3A_27, %gt3A_28 : vector<2000x128xf32>
    %exp3A = math.exp %add3A_27 : vector<2000x128xf32>
    %sub3A = arith.constant 1.000000e+00 : f32
    %sub3A_30 = vector.broadcast %sub3A : f32 to vector<2000x128xf32>
    %sub3A_31 = arith.subf %exp3A, %sub3A_30 : vector<2000x128xf32>
    %select_n3A = arith.select %gt3A_29, %add3A_27, %sub3A_31 : vector<2000x128xi1>, vector<2000x128xf32>
    %swap3A = arith.constant 0 : index
    %swap3A_32 = arith.constant 0 : index
    %swap3A_33 = arith.constant 0 : index
    %swap3A_34 = vector.load %arg7[%swap3A, %swap3A_32, %swap3A_33] : memref<1x2000x128xf32, #tpu.memory_space<vmem>>, vector<1x2000x128xf32>
    %swap3A_35 = vector.shape_cast %swap3A_34 : vector<1x2000x128xf32> to vector<2000x128xf32>
    %swap3A_36 = vector.shape_cast %select_n3A : vector<2000x128xf32> to vector<1x2000x128xf32>
    tpu.vector_store %arg7[%swap3A, %swap3A_32, %swap3A_33], %swap3A_36 {strides = array<i32>} : memref<1x2000x128xf32, #tpu.memory_space<vmem>>, vector<1x2000x128xf32>,
    return
  }
  func.func @transform_0(%arg0: i32, %arg1: i32) -> (i32, i32, i32) {
    %c0_i32 = arith.constant 0 : i32
    %c0_i32_0 = arith.constant 0 : i32
    return %arg0, %arg1, %c0_i32 : i32, i32, i32
  }
  func.func @transform_1(%arg0: i32, %arg1: i32) -> (i32, i32, i32) {
    %c0_i32 = arith.constant 0 : i32
    %c0_i32_0 = arith.constant 0 : i32
    return %arg0, %arg1, %c0_i32 : i32, i32, i32
  }
  func.func @transform_2(%arg0: i32, %arg1: i32) -> (i32, i32, i32) {
    %c0_i32 = arith.constant 0 : i32
    %c0_i32_0 = arith.constant 0 : i32
    return %arg0, %arg1, %c0_i32 : i32, i32, i32
  }
  func.func @transform_3(%arg0: i32, %arg1: i32) -> (i32, i32, i32) {
    %c0_i32 = arith.constant 0 : i32
    %c0_i32_0 = arith.constant 0 : i32
    %c0_i32_1 = arith.constant 0 : i32
    return %arg0, %c0_i32, %c0_i32_0 : i32, i32, i32
  }
  func.func @transform_4(%arg0: i32, %arg1: i32) -> (i32, i32, i32) {
    %c0_i32 = arith.constant 0 : i32
    %c0_i32_0 = arith.constant 0 : i32
    %c0_i32_1 = arith.constant 0 : i32
    return %arg0, %c0_i32, %c0_i32_0 : i32, i32, i32
  }
  func.func @transform_5(%arg0: i32, %arg1: i32) -> (i32, i32, i32) {
    %c0_i32 = arith.constant 0 : i32
    %c0_i32_0 = arith.constant 0 : i32
    return %arg0, %arg1, %c0_i32 : i32, i32, i32
  }
}

</mosaic_0001>

<sc_bundles>
// kernel: kernel.11.cloned.1.call-start
scs
__scs_entry_jumppad:
0x0: {  	(pc) =	sbr.rel $0x88, $3  }
0x1: {  	(tag) =	ssettag $0x0;
	lr =	simm.s32 $0x1  }
0x2: {  	[smem:$0x3F95] =	sst lr;
	_ =	strace $0xD0000000  }
0x3: {  	_ = 	snop  }
0x4: {  	_ = 	snop  }
0x5: {  	_ = 	snop  }
0x6: {  	_ = 	snop  }
0x7: {  	_ = 	snop  }
__scs_overlays_trampoline_lowered:
0x8: {  	[smem:$0x3FA4] =	sst s0  }
0x9: {  	[smem:$0x3FA5] =	sst s1  }
0xa: {  	[smem:$0x3FA6] =	sst s2  }
0xb: {  	[smem:$0x3FA7] =	sst s3  }
0xc: {  	[smem:$0x3FA8] =	sst s4  }
0xd: {  	[smem:$0x3FA9] =	sst s5  }
0xe: {  	[smem:$0x3FAA] =	sst s6  }
0xf: {  	[smem:$0x3FAB] =	sst s7  }
0x10: {  	[smem:$0x3FAC] =	sst s8  }
0x11: {  	[smem:$0x3FAD] =	sst s9;
	s0 =	simm.s32 @!p0 $0x0  }
0x12: {  	s1 =	sld [smem:$0x3F93];
	s0 =	simm.s32 @p0 $0x1  }
0x13: {  	[smem:$0x3FAE] =	sst s0;
	s0 =	simm.s32 @!p1 $0x0  }
0x14: {  	s2 =	sld [smem:$0x3F92];
	s0 =	simm.s32 @p1 $0x1  }
0x15: {  	[smem:$0x3FAF] =	sst s0;
	s0 =	simm.s32 @!p2 $0x0  }
0x16: {  	s3 =	sld [smem:$0x3FDB];
	s0 =	simm.s32 @p2 $0x1  }
0x17: {  	s4 =	simm.s32 $0x1BF5;
	[smem:$0x3FB1] =	sst s0  }
0x18: {  	s0 =	sld [smem:$0x3F94];
	_ =	swait.ge [sflag:s4], $0x0  }
0x19: {  	s7 =	sld [smem:$0x3F95]  }
0x1a: {  	s8 =	sadd.s32 $0xFFFFE003, lr  }
0x1b: {  	s9 =	sadd.s32 $0xFFFFFEF7, lr;
	s5 =	simm.s32 $0xFFFFFFFF;
	p2 =	slt.u32 s8, $0xFFFFF086  }
0x1c: {  	p1 =	slt.u32 s9, $0xF7A;
	s5 =	simm.s32 @!p2 $0x0  }
0x1d: {  	s5 =	simm.s32 @p1 $0x1;
	p0 =	seq.s32 s7, s2  }
0x1e: {  	s7 =	smul.u32 @!p0 $0xF7A, s2;
	p2 =	seq.s32 @!p0 s5, $0x0  }
0x1f: {  	s9 =	smul.u32 $0xF7A, s1;
	s8 =	simm.s32 @!p0 $0x1BF5;
	p2 =	por !p2, p0  }
0x20: {  	[sflag:s8] =	ssyncset.s32 @!p0 $0xFFFFF086;
	s6 =	sadd.s32 @!p0 s3, s7;
	s7 =	simm.s32 @!p0 $0x108  }
0x21: {  	s3 =	sadd.s32 s3, s9;
	s6 =	sadd.s32 @!p0 $0x88, s6;
	s7 =	simm.s32 @p2 $0x1082  }
0x22: {  	[simem:s7], [sflag:s8] =	dma.local @!p0 [hbm:s6], $0xF7A  }
0x23: {  	s9 =	sor.u32 $0xD0000000, s2;
	s6 =	simm.s32 $0x108;
	_ =	swait.ge @!p0 [sflag:s8], $0x0  }
0x24: {  	s3 =	sadd.s32 $0x88, s3;
	s6 =	simm.s32 @!p1 $0x1082;
	[sflag:s4] =	ssyncset.s32 $0xFFFFF086  }
0x25: {  	[simem:s6], [sflag:s4] =	dma.local [hbm:s3], $0xF7A  }
0x26: {  	[smem:$0x3F95] =	sst s1;
	(tag) =	ssettag s2;
	_ =	strace s9  }
0x27: {  	s1 =	sld [smem:$0x3FA5]  }
0x28: {  	s2 =	sld [smem:$0x3FA6]  }
0x29: {  	s4 =	sld [smem:$0x3FA8]  }
0x2a: {  	p0 =	seq.s32 s5, $0x0;
	s5 =	sld [smem:$0x3FA9]  }
0x2b: {  	s6 =	sld [smem:$0x3FAA]  }
0x2c: {  	s7 =	sld [smem:$0x3FAB]  }
0x2d: {  	s3 =	simm.s32 $0x108;
	s8 =	sld [smem:$0x3FAC]  }
0x2e: {  	s3 =	simm.s32 @!p0 $0x1082;
	s9 =	sld [smem:$0x3FAD]  }
0x2f: {  	lr =	sadd.s32 s0, s3;
	s0 =	sld [smem:$0x3FA4]  }
0x30: {  	s3 =	sld [smem:$0x3FA7]  }
0x31: {  	[smem:$0x3FB0] =	sst s10  }
0x32: {  	s10 =	sld [smem:$0x3FAE];
	_ =	sdelay $0x3  }
0x33: {  	p0 =	seq.s32 s10, $0x1;
	s10 =	sld [smem:$0x3FB0];
	_ =	sdelay $0x3  }
0x34: {  	[smem:$0x3FB0] =	sst s10  }
0x35: {  	s10 =	sld [smem:$0x3FAF];
	_ =	sdelay $0x3  }
0x36: {  	p1 =	seq.s32 s10, $0x1;
	s10 =	sld [smem:$0x3FB0];
	_ =	sdelay $0x3  }
0x37: {  	[smem:$0x3FB0] =	sst s10  }
0x38: {  	s10 =	sld [smem:$0x3FB1]  }
0x39: {  	_ = 	snop;
	(pc) =	sbr.ind lr, $3  }
0x3a: {  	_ = 	snop  }
0x3b: {  	_ = 	snop  }
0x3c: {  	p2 =	seq.s32 s10, $0x1;
	s10 =	sld [smem:$0x3FB0]  }
0x3d: {  	_ =	shalt  }
0x3e: {  	_ =	shalt  }
0x3f: {  	_ =	shalt  }
0x40: {  	_ =	shalt  }
0x41: {  	_ =	shalt  }
0x42: {  	_ =	shalt  }
0x43: {  	_ =	shalt  }
0x44: {  	_ =	shalt  }
0x45: {  	_ =	shalt  }
0x46: {  	_ =	shalt  }
0x47: {  	_ =	shalt  }
0x48: {  	_ =	shalt  }
0x49: {  	_ =	shalt  }
0x4a: {  	_ =	shalt  }
0x4b: {  	_ =	shalt  }
0x4c: {  	_ =	shalt  }
0x4d: {  	_ =	shalt  }
0x4e: {  	_ =	shalt  }
0x4f: {  	_ =	shalt  }
0x50: {  	_ =	shalt  }
0x51: {  	_ =	shalt  }
0x52: {  	_ =	shalt  }
0x53: {  	_ =	shalt  }
0x54: {  	_ =	shalt  }
0x55: {  	_ =	shalt  }
0x56: {  	_ =	shalt  }
0x57: {  	_ =	shalt  }
0x58: {  	_ =	shalt  }
0x59: {  	_ =	shalt  }
0x5a: {  	_ =	shalt  }
0x5b: {  	_ =	shalt  }
0x5c: {  	_ =	shalt  }
0x5d: {  	_ =	shalt  }
0x5e: {  	_ =	shalt  }
0x5f: {  	_ =	shalt  }
0x60: {  	_ =	shalt  }
0x61: {  	_ =	shalt  }
0x62: {  	_ =	shalt  }
0x63: {  	_ =	shalt  }
0x64: {  	_ =	shalt  }
0x65: {  	_ =	shalt  }
0x66: {  	_ =	shalt  }
0x67: {  	_ =	shalt  }
0x68: {  	_ =	shalt  }
0x69: {  	_ =	shalt  }
0x6a: {  	_ =	shalt  }
0x6b: {  	_ =	shalt  }
0x6c: {  	_ =	shalt  }
0x6d: {  	_ =	shalt  }
0x6e: {  	_ =	shalt  }
0x6f: {  	_ =	shalt  }
0x70: {  	_ =	shalt  }
0x71: {  	_ =	shalt  }
0x72: {  	_ =	shalt  }
0x73: {  	_ =	shalt  }
0x74: {  	_ =	shalt  }
0x75: {  	_ =	shalt  }
0x76: {  	_ =	shalt  }
0x77: {  	_ =	shalt  }
0x78: {  	_ =	shalt  }
0x79: {  	_ =	shalt  }
0x7a: {  	_ =	shalt  }
0x7b: {  	_ =	shalt  }
0x7c: {  	_ =	shalt  }
0x7d: {  	_ =	shalt  }
0x7e: {  	_ =	shalt  }
0x7f: {  	_ =	shalt  }
0x80: {  	_ =	shalt  }
0x81: {  	_ =	shalt  }
0x82: {  	_ =	shalt  }
0x83: {  	_ =	shalt  }
0x84: {  	_ =	shalt  }
0x85: {  	_ =	shalt  }
0x86: {  	_ =	shalt  }
0x87: {  	_ =	shalt  }
.Lfunc_end0:
.L_simem_size_0:
called_computation.1_lowered:
.L_overlay_start_0:
0x88: {  	s2 =	sld [smem:$0x3FD9]  }
0x89: {  	s3 =	sld [smem:$0x3FFE];
	_ =	sdelay $0x1  }
0x8a: {  	s1 =	srdreg.scid  }
0x8b: {  	s0 =	sand.u32 $0x1, s1  }
0x8c: {  	s16 =	sshll.u32 s0, $0xA;
	s2 =	sadd.s32 s3, s2  }
0x8d: {  	s2 =	sadd.s32 s2, s16  }
0x8e: {  	[smem:$0x3FBC] =	sst s2  }
0x8f: {  	_ = 	snop  }
0x90: {  	(tm) =	ssettm $0x1  }
0x91: {  	s17 =	sld [smem:$0x3FFB];
	_ =	sdelay $0x3  }
0x92: {  	_ =	strace s17  }
0x93: {  	s2 =	sld [smem:$0x3FFC];
	_ =	sdelay $0x3  }
0x94: {  	_ =	strace s2  }
0x95: {  	s2 =	sld [smem:$0x3FFD];
	_ =	sdelay $0x3  }
0x96: {  	_ =	strace s2  }
0x97: {  	_ =	strace $0x8FFFFFFF  }
0x98: {  	s18 =	sld [smem:$0x3FDB];
	_ =	sdelay $0x1  }
0x99: {  	s19 =	simm.s32 $_scs_section_size  }
0x9a: {  	s4 =	simm.s32 $_size__tile_overlayer_lowered;
	s5 =	simm.s32 $_tile_overlayer_lowered  }
0x9b: {  	s22 =	simm.s32 $0x1BFF;
	s21 =	sshll.u32 s5, $0x1;
	s2 =	sadd.s32 s19, s18  }
0x9c: {  	s6 =	simm.s32 $0x0;
	s20 =	sshll.u32 s4, $0x1;
	s4 =	sadd.s32 s21, s2  }
0x9d: {  	[timem:s6], [sflag:s22] =	dma.local [hbm:s4], s20  }
0x9e: {  	_ =	swait.ge [sflag:s22], s20  }
0x9f: {  	s3 =	ssub.s32 $0x0, s20;
	[sflag:s22] =	ssyncset.done $0x0  }
0xa0: {  	[sflag:s22] =	ssyncadd.s32 s3;
	_ =	sdelay $0x1  }
0xa1: {  	s23 =	simm.s32 $0x1B8B  }
0xa2: {  	_ =	swait.ge [sflag:s23], $0x1  }
0xa3: {  	[sflag:s23] =	ssyncset.done $0x0  }
0xa4: {  	s25 =	simm.s32 $0x1B8E;
	s24 =	sld [smem:$0x3FFE];
	[sflag:s23] =	ssyncadd.s32 $0xFFFFFFFF  }
0xa5: {  	s26 =	simm.s32 $execute0_lowered;
	[smem:$0x3FD2] =	sst s25  }
0xa6: {  	s4 =	sshll.u32 s26, $0x1;
	_ =	strace $0x80000049;
	[dreg:$0x1] =	wrdreg $0xFFFFFFFF  }
0xa7: {  	s28 =	simm.s32 $_size_execute0_lowered;
	s2 =	sadd.s32 s2, s4;
	[dreg:$0x0] =	wrdreg $0x0  }
0xa8: {  	s4 =	sshll.u32 s28, $0x1;
	[dreg:$0x2] =	wrdreg s2  }
0xa9: {  	[dreg:$0x3] =	wrdreg s4  }
0xaa: {  	[dreg:$0x4] =	wrdreg $0xC0  }
0xab: {  	_ =	task [dreg:s6], $0x5FFFF  }
0xac: {  	[dreg:$0x1] =	wrdreg $0xFFFFFFFF  }
0xad: {  	[dreg:$0x0] =	wrdreg $0x60  }
0xae: {  	[dreg:$0x2] =	wrdreg s24  }
0xaf: {  	[dreg:$0x3] =	wrdreg $0xE0000  }
0xb0: {  	[dreg:$0x4] =	wrdreg $0x9  }
0xb1: {  	_ =	task.clear_ibuf [dreg:s6], $0x5FFFF;
	_ =	strace $0x90000049  }
0xb2: {  	s29 =	simm.s32 $0x9;
	_ =	strace $0x8000004B  }
0xb3: {  	_ =	swait.ge [sflag:s29], $0x1  }
0xb4: {  	[sflag:s29] =	ssyncadd.s32 $0xFFFFFFFF  }
0xb5: {  	_ =	strace $0x9000004B  }
0xb6: {  	_ =	sfence  }
0xb7: {  	s30 =	sld [smem:$0x0];
	_ =	sdelay $0x2  }
0xb8: {  	s31 =	sshll.u32 s1, $0xD;
	s1 =	sshrl.u32 s1, $0x2  }
0xb9: {  	s3 =	sand.u32 $0x4000, s31;
	s1 =	sadd.s32 s1, s30  }
0xba: {  	s0 =	sor.u32 s3, s0;
	s1 =	sshll.u32 s1, $0x11  }
0xbb: {  	s0 =	sor.u32 s1, s0  }
0xbc: {  	s0 =	sadd.s32 $0x8F2B, s0  }
0xbd: {  	[sflag:s0] =	ssyncadd.remote.s32 $0x1  }
0xbe: {  	_ =	sfence.sel $0xFFFF  }
0xbf: {  	[dreg:$0x0] =	wrdreg $0xFFFFFFFF;
	(pc) =	sbr.abs _section_cstart, $3  }
0xc0: {  	[dreg:$0x1] =	wrdreg $0xFFFFFFFF  }
0xc1: {  	_ =	task.clear_ibuf [dreg:s6], $0x2FFFF;
	_ =	strace $0x9FFFFFFF  }
0xc2: {  	(tm) =	ssettm $0x7FFFFFFF  }
0xc3: {  	_ =	shalt  }
tec
execute0_lowered:
.L_overlay_start_1:
0x0: {  	(tag) =	ssettag $0x1  }
0x1: {  	s6 =	rddreg [dreg:$0x0]  }
0x2: {  	s2 =	rddreg [dreg:$0x1]  }
0x3: {  	s0 =	srdreg.scid;
	s1 =	rddreg [dreg:$0x2]  }
0x4: {  	s3 =	simm.s32 $0x0;
	s17 =	simm.s32 $0xC000;
	s7 =	sand.u32 $0x1, s0  }
0x5: {  	s18 =	simm.s32 $0x1;
	s0 =	stileid.u32;
	s4 =	smul.u32 $0x50000, s7  }
0x6: {  	s19 =	simm.s32 $0x2;
	s22 =	simm.s32 $0x0;
	s5 =	smul.u32 $0x5000, s0  }
0x7: {  	[smem:$0x7FF] =	sst s3;
	s12 =	sadd.s32 $0xA0E00, s6;
	s9 =	smul.u32 $0x1400, s0  }
0x8: {  	s20 =	sadd.s32 $0x96000, s2;
	_ =	strace $0x8000004A;
	s11 =	smul.u32 $0x28000, s0  }
0x9: {  	s10 =	ssub.s32 $0x2, s7;
	s13 =	smul.u32 $0x13880, s7;
	s14 =	sshll.u32 s0, $0x6  }
0xa: {  	s15 =	smul.u32 $0x9C400, s7;
	p0 =	seq.s32 s0, $0xF;
	s30 =	sshrl.u32 s10, $0x1  }
0xb: {  	s20 =	sshrl.u32 @p0 s20, $0x3;
	s4 =	sadd.s32 s5, s4;
	s11 =	sshrl.u32 s11, $0x2  }
0xc: {  	s16 =	ssub.s32 s10, s30;
	s9 =	sadd.s32 s9, s13;
	s31 =	sshrl.u32 s15, $0x3  }
0xd: {  	s13 =	simm.s32 $0x3;
	s15 =	simm.s32 $0x80;
	s5 =	sshrl.u32 s4, $0x3  }
0xe: {  	s4 =	sadd.s32 $0x78800, s6;
	s21 =	sadd.s32 s11, s2;
	s9 =	sadd.s32 s12, s9  }
0xf: {  	s10 =	sadd.s32 s12, s31;
	s11 =	smax.u32 s16, $0x1;
	s16 =	simm.s32 $0xA000  }
0x10: {  	s8 =	sadd.s32 s5, s6;
	s5 =	sadd.s32 $0x9FA00, s6;
	s6 =	sor.u32 $0x1C03, s14  }
0x11: {  	s10 =	sadd.s32 $0x12C00, s10;
	s12 =	sshrl.u32 s21, $0x3;
	s14 =	simm.s32 $0x5000  }
0x12: {  	s21 =	sshrl.u32 @!p0 s21, $0x3;
	s7 =	sadd.s32 $0x16600, s8;
	s8 =	sadd.s32 $0x2200, s8  }
.LBB2_1:
0x13: {  	[spmem:s12], [sflag:s6] =	dma.local [hbm:s5], $0x1400  }
0x14: {  	_ =	swait.ge [sflag:s13], $0x1400  }
0x15: {  	[sflag:s13] =	ssyncset.done $0x0  }
0x16: {  	[sflag:s13] =	ssyncadd.s32 $0xFFFFEC00  }
0x17: {  	[tilespmem:s3], [sflag:$0x3] =	stream.linear.gather [hbm4b:s7+s3], $0x5000, $0x38;
	[tilespmem:$0x18000] =	vst v63  }
0x18: {  	_ =	swait.ge [sflag:s13], $0x5000  }
0x19: {  	[sflag:s13] =	ssyncset.done $0x0  }
0x1a: {  	[sflag:s13] =	ssyncadd.s32 $0xFFFFB000  }
0x1b: {  	[tilespmem:s14], [sflag:$0x3] =	stream.linear.gather [hbm4b:s8+s3], $0x5000, $0x38;
	[tilespmem:$0x18000] =	vst v63  }
0x1c: {  	_ =	swait.ge [sflag:s13], $0x5000  }
0x1d: {  	[sflag:s13] =	ssyncset.done $0x0  }
0x1e: {  	[sflag:s13] =	ssyncadd.s32 $0xFFFFB000  }
0x1f: {  	[bflag:$0x0] =	sbarrier.arrive $0xFFFF  }
0x20: {  	[tilespmem:s16], [sflag:$0x1] =	stream.indirect.gather [hbm4b:s4+s15], $0x40, s3, s15, $0xb8;
	[tilespmem:$0x18000] =	vst v63  }
0x21: {  	s23 =	simm.s32 $0x80  }
0x22: {  	[tilespmem:s17], [sflag:$0x2] =	stream.indirect.gather [hbm4b:s4+s15], $0x40, s23, s15, $0xb8;
	[tilespmem:$0x18000] =	vst v63  }
0x23: {  	_ =	swait.ge [sflag:s18], $0x2000  }
0x24: {  	[sflag:s18] =	ssyncset.done $0x0  }
0x25: {  	s29 =	simm.s32 $0x5000;
	[sflag:s18] =	ssyncadd.s32 $0xFFFFE000  }
0x26: {  	[spmem:s2] =	stream.indirect.scatter.add.f32 [tilespmem:s16], [sflag:$0x3], $0x40, s29, s15, $0xb8;
	[tilespmem:$0x18000] =	vst v63  }
0x27: {  	_ =	swait.ge [sflag:s13], $0x2000  }
0x28: {  	[sflag:s13] =	ssyncset.done $0x0  }
0x29: {  	s30 =	simm.s32 $0x100;
	[sflag:s13] =	ssyncadd.s32 $0xFFFFE000  }
0x2a: {  	[tilespmem:s16], [sflag:$0x1] =	stream.indirect.gather [hbm4b:s4+s15], $0x40, s30, s15, $0xb8;
	[tilespmem:$0x18000] =	vst v63  }
0x2b: {  	_ =	swait.ge [sflag:s19], $0x2000  }
0x2c: {  	[sflag:s19] =	ssyncset.done $0x0  }
0x2d: {  	s31 =	simm.s32 $0x5080;
	[sflag:s19] =	ssyncadd.s32 $0xFFFFE000  }
0x2e: {  	[spmem:s2] =	stream.indirect.scatter.add.f32 [tilespmem:s17], [sflag:$0x3], $0x40, s31, s15, $0xb8;
	[tilespmem:$0x18000] =	vst v63  }
0x2f: {  	_ =	swait.ge [sflag:s13], $0x2000  }
0x30: {  	s24 =	simm.s32 $0x800;
	s23 =	simm.s32 $0x100;
	[sflag:s13] =	ssyncset.done $0x0  }
.LBB2_2:
0x31: {  	s25 =	sadd.s32 $0x80, s23  }
0x32: {  	[sflag:s13] =	ssyncadd.s32 $0xFFFFE000;
	s26 =	smov.u32 s24;
	s28 =	sadd.s32 $0x400, s24  }
0x33: {  	[tilespmem:s17], [sflag:$0x2] =	stream.indirect.gather [hbm4b:s4+s15], $0x40, s25, s15, $0xb8;
	[tilespmem:$0x18000] =	vst v63  }
0x34: {  	p1 =	sne.s32 s24, $0x13800;
	_ =	swait.ge [sflag:s18], $0x2000  }
0x35: {  	[sflag:s18] =	ssyncset.done $0x0  }
0x36: {  	s24 =	sadd.s32 $0x5000, s23;
	[sflag:s18] =	ssyncadd.s32 $0xFFFFE000  }
0x37: {  	[spmem:s2] =	stream.indirect.scatter.add.f32 [tilespmem:s16], [sflag:$0x3], $0x40, s24, s15, $0xb8;
	[tilespmem:$0x18000] =	vst v63  }
0x38: {  	_ =	swait.ge [sflag:s13], $0x2000  }
0x39: {  	[sflag:s13] =	ssyncset.done $0x0  }
0x3a: {  	s24 =	sadd.s32 $0x100, s23;
	[sflag:s13] =	ssyncadd.s32 $0xFFFFE000  }
0x3b: {  	[tilespmem:s16], [sflag:$0x1] =	stream.indirect.gather [hbm4b:s4+s15], $0x40, s24, s15, $0xb8;
	[tilespmem:$0x18000] =	vst v63  }
0x3c: {  	_ =	swait.ge [sflag:s19], $0x2000  }
.Ltmp0:
0x3d: {  	[sflag:s19] =	ssyncset.done $0x0;
	(pc) =	sbr.rel @p1 .LBB2_2-.Ltmp0, $4  }
0x3e: {  	s23 =	sadd.s32 $0x5080, s23;
	[sflag:s19] =	ssyncadd.s32 $0xFFFFE000  }
0x3f: {  	[spmem:s2] =	stream.indirect.scatter.add.f32 [tilespmem:s17], [sflag:$0x3], $0x40, s23, s15, $0xb8;
	[tilespmem:$0x18000] =	vst v63  }
0x40: {  	_ =	swait.ge [sflag:s13], $0x2000  }
0x41: {  	s24 =	smov.u32 s28;
	s23 =	sshra.s32 s26, $0x2;
	[sflag:s13] =	ssyncset.done $0x0  }
0x42: {  	s24 =	sadd.s32 $0x80, s23;
	[sflag:s13] =	ssyncadd.s32 $0xFFFFE000  }
0x43: {  	[tilespmem:s17], [sflag:$0x2] =	stream.indirect.gather [hbm4b:s4+s15], $0x40, s24, s15, $0xb8;
	[tilespmem:$0x18000] =	vst v63  }
0x44: {  	_ =	swait.ge [sflag:s18], $0x2000  }
0x45: {  	[sflag:s18] =	ssyncset.done $0x0  }
0x46: {  	s29 =	sadd.s32 $0x5000, s23;
	[sflag:s18] =	ssyncadd.s32 $0xFFFFE000  }
0x47: {  	[spmem:s2] =	stream.indirect.scatter.add.f32 [tilespmem:s16], [sflag:$0x3], $0x40, s29, s15, $0xb8;
	[tilespmem:$0x18000] =	vst v63  }
0x48: {  	_ =	swait.ge [sflag:s13], $0x2000  }
0x49: {  	[sflag:s13] =	ssyncset.done $0x0  }
0x4a: {  	s30 =	sadd.s32 $0x100, s23;
	[sflag:s13] =	ssyncadd.s32 $0xFFFFE000  }
0x4b: {  	[tilespmem:s16], [sflag:$0x1] =	stream.indirect.gather [hbm4b:s4+s15], $0x40, s30, s15, $0xb8;
	[tilespmem:$0x18000] =	vst v63  }
0x4c: {  	_ =	swait.ge [sflag:s19], $0x2000  }
0x4d: {  	[sflag:s19] =	ssyncset.done $0x0  }
0x4e: {  	s31 =	sadd.s32 $0x5080, s23;
	[sflag:s19] =	ssyncadd.s32 $0xFFFFE000  }
0x4f: {  	[spmem:s2] =	stream.indirect.scatter.add.f32 [tilespmem:s17], [sflag:$0x3], $0x40, s31, s15, $0xb8;
	[tilespmem:$0x18000] =	vst v63  }
0x50: {  	_ =	swait.ge [sflag:s13], $0x2000  }
0x51: {  	[sflag:s13] =	ssyncset.done $0x0  }
0x52: {  	[sflag:s13] =	ssyncadd.s32 $0xFFFFE000  }
0x53: {  	_ =	swait.ge [sflag:s18], $0x2000  }
0x54: {  	[sflag:s18] =	ssyncset.done $0x0  }
0x55: {  	[sflag:s18] =	ssyncadd.s32 $0xFFFFE000  }
0x56: {  	s23 =	simm.s32 @p0 $0x3;
	[bflag:$0x0] =	sbarrier.arrive $0xFFFF  }
0x57: {  	[hbm:s10], [sflag:s6] =	dma.local @p0 [spmem:s20], $0xC80  }
0x58: {  	s22 =	sadd.s32 $0x1, s22;
	_ =	swait.ge @p0 [sflag:s23], $0xC80  }
0x59: {  	p1 =	sne.s32 s22, s11;
	[sflag:s23] =	ssyncset.done @p0 $0x0  }
.Ltmp1:
0x5a: {  	[sflag:s23] =	ssyncadd.s32 @p0 $0xFFFFF380;
	s23 =	simm.s32 @!p0 $0x3;
	(pc) =	sbr.rel @p1 .LBB2_1-.Ltmp1, $4  }
0x5b: {  	[hbm:s9], [sflag:s6] =	dma.local @!p0 [spmem:s21], $0x1400  }
0x5c: {  	_ =	swait.ge @!p0 [sflag:s23], $0x1400  }
0x5d: {  	[sflag:s23] =	ssyncset.done @!p0 $0x0  }
0x5e: {  	[sflag:s23] =	ssyncadd.s32 @!p0 $0xFFFFEC00  }
0x5f: {  	_ =	sfence.sel $0x180000  }
0x60: {  	[bflag:$0x0] =	sbarrier.arrive $0xFFFF  }
0x61: {  	p0 =	sne.s32 s0, $0x0;
	_ =	strace $0x9000004A  }
0x62: {  	s0 =	sadd.s32 @!p0 $0x100000, s1;
	[bflag:$0x2] =	sbarrier.arrive $0xFFFF  }
0x63: {  	[sflag:s0] =	ssyncadd.tile.s32 @!p0 $0x1;
	_ =	shalt  }
.Lfunc_end2:
_tile_overlayer_lowered:
.L_overlay_start_2:
0x64: {  	(tag) =	ssettag $0x2  }
0x65: {  	s0 =	rddreg [dreg:$0x0];
	s2 =	stileid.u32  }
0x66: {  	s1 =	rddreg [dreg:$0x1];
	p0 =	sne.s32 s2, $0x0  }
0x67: {  	s3 =	rddreg [dreg:$0x2];
	[bflag:$0x3] =	sbarrier.arrive $0xFFFF;
	s2 =	simm.s32 @!p0 $0x1C03  }
0x68: {  	[timem:s3], [sflag:s2] =	dma.local @!p0 [hbm:s0], s1  }
0x69: {  	s0 =	simm.s32 @!p0 $0x3  }
0x6a: {  	_ =	swait.ge @!p0 [sflag:s0], s1  }
0x6b: {  	s1 =	ssub.s32 @!p0 $0x0, s1;
	[sflag:s0] =	ssyncset.done @!p0 $0x0  }
0x6c: {  	[sflag:s0] =	ssyncadd.s32 @!p0 s1  }
0x6d: {  	[bflag:$0x3] =	sbarrier.arrive $0xFFFF  }
0x6e: {  	_ =	shalt  }

// kernel: kernel.14.cloned.1.call-start
scs
__scs_entry_jumppad:
0x0: {  	(pc) =	sbr.rel $0x88, $3  }
0x1: {  	(tag) =	ssettag $0x0;
	lr =	simm.s32 $0x1  }
0x2: {  	[smem:$0x3F95] =	sst lr;
	_ =	strace $0xD0000000  }
0x3: {  	_ = 	snop  }
0x4: {  	_ = 	snop  }
0x5: {  	_ = 	snop  }
0x6: {  	_ = 	snop  }
0x7: {  	_ = 	snop  }
__scs_overlays_trampoline_lowered:
0x8: {  	[smem:$0x3FA4] =	sst s0  }
0x9: {  	[smem:$0x3FA5] =	sst s1  }
0xa: {  	[smem:$0x3FA6] =	sst s2  }
0xb: {  	[smem:$0x3FA7] =	sst s3  }
0xc: {  	[smem:$0x3FA8] =	sst s4  }
0xd: {  	[smem:$0x3FA9] =	sst s5  }
0xe: {  	[smem:$0x3FAA] =	sst s6  }
0xf: {  	[smem:$0x3FAB] =	sst s7  }
0x10: {  	[smem:$0x3FAC] =	sst s8  }
0x11: {  	[smem:$0x3FAD] =	sst s9;
	s0 =	simm.s32 @!p0 $0x0  }
0x12: {  	s1 =	sld [smem:$0x3F93];
	s0 =	simm.s32 @p0 $0x1  }
0x13: {  	[smem:$0x3FAE] =	sst s0;
	s0 =	simm.s32 @!p1 $0x0  }
0x14: {  	s2 =	sld [smem:$0x3F92];
	s0 =	simm.s32 @p1 $0x1  }
0x15: {  	[smem:$0x3FAF] =	sst s0;
	s0 =	simm.s32 @!p2 $0x0  }
0x16: {  	s3 =	sld [smem:$0x3FDB];
	s0 =	simm.s32 @p2 $0x1  }
0x17: {  	s4 =	simm.s32 $0x1BF5;
	[smem:$0x3FB1] =	sst s0  }
0x18: {  	s0 =	sld [smem:$0x3F94];
	_ =	swait.ge [sflag:s4], $0x0  }
0x19: {  	s7 =	sld [smem:$0x3F95]  }
0x1a: {  	s8 =	sadd.s32 $0xFFFFE003, lr  }
0x1b: {  	s9 =	sadd.s32 $0xFFFFFEF7, lr;
	s5 =	simm.s32 $0xFFFFFFFF;
	p2 =	slt.u32 s8, $0xFFFFF086  }
0x1c: {  	p1 =	slt.u32 s9, $0xF7A;
	s5 =	simm.s32 @!p2 $0x0  }
0x1d: {  	s5 =	simm.s32 @p1 $0x1;
	p0 =	seq.s32 s7, s2  }
0x1e: {  	s7 =	smul.u32 @!p0 $0xF7A, s2;
	p2 =	seq.s32 @!p0 s5, $0x0  }
0x1f: {  	s9 =	smul.u32 $0xF7A, s1;
	s8 =	simm.s32 @!p0 $0x1BF5;
	p2 =	por !p2, p0  }
0x20: {  	[sflag:s8] =	ssyncset.s32 @!p0 $0xFFFFF086;
	s6 =	sadd.s32 @!p0 s3, s7;
	s7 =	simm.s32 @!p0 $0x108  }
0x21: {  	s3 =	sadd.s32 s3, s9;
	s6 =	sadd.s32 @!p0 $0x88, s6;
	s7 =	simm.s32 @p2 $0x1082  }
0x22: {  	[simem:s7], [sflag:s8] =	dma.local @!p0 [hbm:s6], $0xF7A  }
0x23: {  	s9 =	sor.u32 $0xD0000000, s2;
	s6 =	simm.s32 $0x108;
	_ =	swait.ge @!p0 [sflag:s8], $0x0  }
0x24: {  	s3 =	sadd.s32 $0x88, s3;
	s6 =	simm.s32 @!p1 $0x1082;
	[sflag:s4] =	ssyncset.s32 $0xFFFFF086  }
0x25: {  	[simem:s6], [sflag:s4] =	dma.local [hbm:s3], $0xF7A  }
0x26: {  	[smem:$0x3F95] =	sst s1;
	(tag) =	ssettag s2;
	_ =	strace s9  }
0x27: {  	s1 =	sld [smem:$0x3FA5]  }
0x28: {  	s2 =	sld [smem:$0x3FA6]  }
0x29: {  	s4 =	sld [smem:$0x3FA8]  }
0x2a: {  	p0 =	seq.s32 s5, $0x0;
	s5 =	sld [smem:$0x3FA9]  }
0x2b: {  	s6 =	sld [smem:$0x3FAA]  }
0x2c: {  	s7 =	sld [smem:$0x3FAB]  }
0x2d: {  	s3 =	simm.s32 $0x108;
	s8 =	sld [smem:$0x3FAC]  }
0x2e: {  	s3 =	simm.s32 @!p0 $0x1082;
	s9 =	sld [smem:$0x3FAD]  }
0x2f: {  	lr =	sadd.s32 s0, s3;
	s0 =	sld [smem:$0x3FA4]  }
0x30: {  	s3 =	sld [smem:$0x3FA7]  }
0x31: {  	[smem:$0x3FB0] =	sst s10  }
0x32: {  	s10 =	sld [smem:$0x3FAE];
	_ =	sdelay $0x3  }
0x33: {  	p0 =	seq.s32 s10, $0x1;
	s10 =	sld [smem:$0x3FB0];
	_ =	sdelay $0x3  }
0x34: {  	[smem:$0x3FB0] =	sst s10  }
0x35: {  	s10 =	sld [smem:$0x3FAF];
	_ =	sdelay $0x3  }
0x36: {  	p1 =	seq.s32 s10, $0x1;
	s10 =	sld [smem:$0x3FB0];
	_ =	sdelay $0x3  }
0x37: {  	[smem:$0x3FB0] =	sst s10  }
0x38: {  	s10 =	sld [smem:$0x3FB1]  }
0x39: {  	_ = 	snop;
	(pc) =	sbr.ind lr, $3  }
0x3a: {  	_ = 	snop  }
0x3b: {  	_ = 	snop  }
0x3c: {  	p2 =	seq.s32 s10, $0x1;
	s10 =	sld [smem:$0x3FB0]  }
0x3d: {  	_ =	shalt  }
0x3e: {  	_ =	shalt  }
0x3f: {  	_ =	shalt  }
0x40: {  	_ =	shalt  }
0x41: {  	_ =	shalt  }
0x42: {  	_ =	shalt  }
0x43: {  	_ =	shalt  }
0x44: {  	_ =	shalt  }
0x45: {  	_ =	shalt  }
0x46: {  	_ =	shalt  }
0x47: {  	_ =	shalt  }
0x48: {  	_ =	shalt  }
0x49: {  	_ =	shalt  }
0x4a: {  	_ =	shalt  }
0x4b: {  	_ =	shalt  }
0x4c: {  	_ =	shalt  }
0x4d: {  	_ =	shalt  }
0x4e: {  	_ =	shalt  }
0x4f: {  	_ =	shalt  }
0x50: {  	_ =	shalt  }
0x51: {  	_ =	shalt  }
0x52: {  	_ =	shalt  }
0x53: {  	_ =	shalt  }
0x54: {  	_ =	shalt  }
0x55: {  	_ =	shalt  }
0x56: {  	_ =	shalt  }
0x57: {  	_ =	shalt  }
0x58: {  	_ =	shalt  }
0x59: {  	_ =	shalt  }
0x5a: {  	_ =	shalt  }
0x5b: {  	_ =	shalt  }
0x5c: {  	_ =	shalt  }
0x5d: {  	_ =	shalt  }
0x5e: {  	_ =	shalt  }
0x5f: {  	_ =	shalt  }
0x60: {  	_ =	shalt  }
0x61: {  	_ =	shalt  }
0x62: {  	_ =	shalt  }
0x63: {  	_ =	shalt  }
0x64: {  	_ =	shalt  }
0x65: {  	_ =	shalt  }
0x66: {  	_ =	shalt  }
0x67: {  	_ =	shalt  }
0x68: {  	_ =	shalt  }
0x69: {  	_ =	shalt  }
0x6a: {  	_ =	shalt  }
0x6b: {  	_ =	shalt  }
0x6c: {  	_ =	shalt  }
0x6d: {  	_ =	shalt  }
0x6e: {  	_ =	shalt  }
0x6f: {  	_ =	shalt  }
0x70: {  	_ =	shalt  }
0x71: {  	_ =	shalt  }
0x72: {  	_ =	shalt  }
0x73: {  	_ =	shalt  }
0x74: {  	_ =	shalt  }
0x75: {  	_ =	shalt  }
0x76: {  	_ =	shalt  }
0x77: {  	_ =	shalt  }
0x78: {  	_ =	shalt  }
0x79: {  	_ =	shalt  }
0x7a: {  	_ =	shalt  }
0x7b: {  	_ =	shalt  }
0x7c: {  	_ =	shalt  }
0x7d: {  	_ =	shalt  }
0x7e: {  	_ =	shalt  }
0x7f: {  	_ =	shalt  }
0x80: {  	_ =	shalt  }
0x81: {  	_ =	shalt  }
0x82: {  	_ =	shalt  }
0x83: {  	_ =	shalt  }
0x84: {  	_ =	shalt  }
0x85: {  	_ =	shalt  }
0x86: {  	_ =	shalt  }
0x87: {  	_ =	shalt  }
.Lfunc_end0:
.L_simem_size_0:
called_computation.2_lowered:
.L_overlay_start_0:
0x88: {  	s2 =	sld [smem:$0x3FD9]  }
0x89: {  	s3 =	sld [smem:$0x3FFE];
	_ =	sdelay $0x1  }
0x8a: {  	s1 =	srdreg.scid  }
0x8b: {  	s0 =	sand.u32 $0x1, s1  }
0x8c: {  	s17 =	sshll.u32 s0, $0xA;
	s2 =	sadd.s32 s3, s2  }
0x8d: {  	s2 =	sadd.s32 s2, s17  }
0x8e: {  	[smem:$0x3FBC] =	sst s2  }
0x8f: {  	_ = 	snop  }
0x90: {  	s2 =	sld [smem:$0x3FD0];
	(tm) =	ssettm $0x1  }
0x91: {  	s18 =	sld [smem:$0x3FFB];
	_ =	sdelay $0x3  }
0x92: {  	_ =	strace s18  }
0x93: {  	s3 =	sld [smem:$0x3FFC];
	_ =	sdelay $0x3  }
0x94: {  	_ =	strace s3  }
0x95: {  	s3 =	sld [smem:$0x3FFD];
	_ =	sdelay $0x3  }
0x96: {  	_ =	strace s3  }
0x97: {  	_ =	strace $0x8FFFFFFF  }
0x98: {  	s19 =	sld [smem:$0x3FDB];
	_ =	sdelay $0x1  }
0x99: {  	s4 =	simm.s32 $_scs_section_size  }
0x9a: {  	s5 =	simm.s32 $_size__tile_overlayer_lowered;
	s6 =	simm.s32 $_tile_overlayer_lowered  }
0x9b: {  	s22 =	simm.s32 $0x1BFF;
	s21 =	sshll.u32 s6, $0x1;
	s3 =	sadd.s32 s4, s19  }
0x9c: {  	s7 =	simm.s32 $0x0;
	s20 =	sshll.u32 s5, $0x1;
	s5 =	sadd.s32 s21, s3  }
0x9d: {  	[timem:s7], [sflag:s22] =	dma.local [hbm:s5], s20  }
0x9e: {  	_ =	swait.ge [sflag:s22], s20  }
0x9f: {  	s4 =	ssub.s32 $0x0, s20;
	[sflag:s22] =	ssyncset.done $0x0  }
0xa0: {  	[sflag:s22] =	ssyncadd.s32 s4;
	_ =	sdelay $0x1  }
0xa1: {  	s23 =	simm.s32 $0x1B8B  }
0xa2: {  	_ =	swait.ge [sflag:s23], $0x1  }
0xa3: {  	[sflag:s23] =	ssyncset.done $0x0  }
0xa4: {  	s25 =	simm.s32 $0x1B8E;
	s24 =	sld [smem:$0x3FFE];
	[sflag:s23] =	ssyncadd.s32 $0xFFFFFFFF  }
0xa5: {  	s26 =	simm.s32 $execute0_lowered;
	[smem:$0x3FD2] =	sst s25  }
0xa6: {  	s5 =	sshll.u32 s26, $0x1;
	_ =	strace $0x8000004C;
	[dreg:$0x1] =	wrdreg $0xFFFFFFFF  }
0xa7: {  	s28 =	simm.s32 $_size_execute0_lowered;
	s3 =	sadd.s32 s3, s5;
	[dreg:$0x0] =	wrdreg $0x0  }
0xa8: {  	s5 =	sshll.u32 s28, $0x1;
	[dreg:$0x2] =	wrdreg s3  }
0xa9: {  	[dreg:$0x3] =	wrdreg s5  }
0xaa: {  	[dreg:$0x4] =	wrdreg $0xC0  }
0xab: {  	_ =	task [dreg:s7], $0x5FFFF  }
0xac: {  	[dreg:$0x1] =	wrdreg $0xFFFFFFFF  }
0xad: {  	[dreg:$0x0] =	wrdreg $0x60  }
0xae: {  	[dreg:$0x2] =	wrdreg s2  }
0xaf: {  	[dreg:$0x3] =	wrdreg s24  }
0xb0: {  	[dreg:$0x4] =	wrdreg $0xE0000  }
0xb1: {  	[dreg:$0x5] =	wrdreg $0x9  }
0xb2: {  	_ =	task.clear_ibuf [dreg:s7], $0x6FFFF;
	_ =	strace $0x9000004C  }
0xb3: {  	s29 =	simm.s32 $0x9;
	_ =	strace $0x8000004E  }
0xb4: {  	_ =	swait.ge [sflag:s29], $0x1  }
0xb5: {  	[sflag:s29] =	ssyncadd.s32 $0xFFFFFFFF  }
0xb6: {  	_ =	strace $0x9000004E  }
0xb7: {  	_ =	sfence  }
0xb8: {  	s30 =	sld [smem:$0x0];
	_ =	sdelay $0x2  }
0xb9: {  	s31 =	sshll.u32 s1, $0xD;
	s1 =	sshrl.u32 s1, $0x2  }
0xba: {  	s3 =	sand.u32 $0x4000, s31;
	s1 =	sadd.s32 s1, s30  }
0xbb: {  	s0 =	sor.u32 s3, s0;
	s1 =	sshll.u32 s1, $0x11  }
0xbc: {  	s0 =	sor.u32 s1, s0  }
0xbd: {  	s0 =	sadd.s32 $0x8F2B, s0  }
0xbe: {  	[sflag:s0] =	ssyncadd.remote.s32 $0x1  }
0xbf: {  	_ =	sfence.sel $0xFFFF  }
0xc0: {  	[dreg:$0x0] =	wrdreg $0xFFFFFFFF;
	(pc) =	sbr.abs _section_cstart, $3  }
0xc1: {  	[dreg:$0x1] =	wrdreg $0xFFFFFFFF  }
0xc2: {  	_ =	task.clear_ibuf [dreg:s7], $0x2FFFF;
	_ =	strace $0x9FFFFFFF  }
0xc3: {  	(tm) =	ssettm $0x7FFFFFFF  }
tec
execute0_lowered:
.L_overlay_start_1:
0x0: {  	(tag) =	ssettag $0x1  }
0x1: {  	s1 =	rddreg [dreg:$0x0]  }
0x2: {  	s7 =	rddreg [dreg:$0x1]  }
0x3: {  	s0 =	srdreg.scid;
	s3 =	rddreg [dreg:$0x2]  }
0x4: {  	s2 =	rddreg [dreg:$0x3];
	s4 =	simm.s32 $0x0;
	s6 =	sand.u32 $0x1, s0  }
0x5: {  	s17 =	simm.s32 $0xC000;
	s0 =	stileid.u32;
	s5 =	smul.u32 $0x50000, s6  }
0x6: {  	s18 =	simm.s32 $0x1;
	s19 =	simm.s32 $0x2;
	s8 =	smul.u32 $0x5000, s0  }
0x7: {  	s22 =	simm.s32 $0x0;
	[smem:$0x7FF] =	sst s4;
	s9 =	smul.u32 $0x1400, s0  }
0x8: {  	s12 =	sadd.s32 $0x78800, s7;
	s20 =	sadd.s32 $0x96000, s3;
	s11 =	smul.u32 $0x28000, s0  }
0x9: {  	_ =	strace $0x8000004D;
	s10 =	ssub.s32 $0x2, s6;
	s13 =	smul.u32 $0x13880, s6  }
0xa: {  	s14 =	sshll.u32 s0, $0x6;
	s15 =	smul.u32 $0x9C400, s6;
	p0 =	seq.s32 s0, $0xF  }
0xb: {  	s30 =	sshrl.u32 s10, $0x1;
	s6 =	sor.u32 $0x1C03, s14;
	s14 =	simm.s32 $0x5000  }
0xc: {  	s20 =	sshrl.u32 @p0 s20, $0x3;
	s5 =	sadd.s32 s8, s5;
	s11 =	sshrl.u32 s11, $0x2  }
0xd: {  	s16 =	ssub.s32 s10, s30;
	s9 =	sadd.s32 s9, s13;
	s31 =	sshrl.u32 s15, $0x3  }
0xe: {  	s13 =	simm.s32 $0x3;
	s15 =	simm.s32 $0x80;
	s5 =	sshrl.u32 s5, $0x3  }
0xf: {  	s21 =	sadd.s32 s11, s3;
	s9 =	sadd.s32 s12, s9;
	s10 =	sadd.s32 s12, s31  }
0x10: {  	s11 =	smax.u32 s16, $0x1;
	s16 =	simm.s32 $0xA000;
	s29 =	sadd.s32 s5, s7  }
0x11: {  	s5 =	sadd.s32 $0x9FA00, s7;
	s10 =	sadd.s32 $0x12C00, s10;
	s12 =	sshrl.u32 s21, $0x3  }
0x12: {  	s21 =	sshrl.u32 @!p0 s21, $0x3;
	s7 =	sadd.s32 $0x16600, s29;
	s8 =	sadd.s32 $0x2200, s29  }
.LBB2_1:
0x13: {  	[spmem:s12], [sflag:s6] =	dma.local [hbm:s5], $0x1400  }
0x14: {  	_ =	swait.ge [sflag:s13], $0x1400  }
0x15: {  	[sflag:s13] =	ssyncset.done $0x0  }
0x16: {  	[sflag:s13] =	ssyncadd.s32 $0xFFFFEC00  }
0x17: {  	[tilespmem:s4], [sflag:$0x3] =	stream.linear.gather [hbm4b:s7+s4], $0x5000, $0x38;
	[tilespmem:$0x18000] =	vst v63  }
0x18: {  	_ =	swait.ge [sflag:s13], $0x5000  }
0x19: {  	[sflag:s13] =	ssyncset.done $0x0  }
0x1a: {  	[sflag:s13] =	ssyncadd.s32 $0xFFFFB000  }
0x1b: {  	[tilespmem:s14], [sflag:$0x3] =	stream.linear.gather [hbm4b:s8+s4], $0x5000, $0x38;
	[tilespmem:$0x18000] =	vst v63  }
0x1c: {  	_ =	swait.ge [sflag:s13], $0x5000  }
0x1d: {  	[sflag:s13] =	ssyncset.done $0x0  }
0x1e: {  	[sflag:s13] =	ssyncadd.s32 $0xFFFFB000  }
0x1f: {  	[bflag:$0x0] =	sbarrier.arrive $0xFFFF  }
0x20: {  	[tilespmem:s16], [sflag:$0x1] =	stream.indirect.gather [hbm4b:s1+s15], $0x40, s4, s15, $0xb8;
	[tilespmem:$0x18000] =	vst v63  }
0x21: {  	s23 =	simm.s32 $0x80  }
0x22: {  	[tilespmem:s17], [sflag:$0x2] =	stream.indirect.gather [hbm4b:s1+s15], $0x40, s23, s15, $0xb8;
	[tilespmem:$0x18000] =	vst v63  }
0x23: {  	_ =	swait.ge [sflag:s18], $0x2000  }
0x24: {  	[sflag:s18] =	ssyncset.done $0x0  }
0x25: {  	s29 =	simm.s32 $0x5000;
	[sflag:s18] =	ssyncadd.s32 $0xFFFFE000  }
0x26: {  	[spmem:s3] =	stream.indirect.scatter.add.f32 [tilespmem:s16], [sflag:$0x3], $0x40, s29, s15, $0xb8;
	[tilespmem:$0x18000] =	vst v63  }
0x27: {  	_ =	swait.ge [sflag:s13], $0x2000  }
0x28: {  	[sflag:s13] =	ssyncset.done $0x0  }
0x29: {  	s30 =	simm.s32 $0x100;
	[sflag:s13] =	ssyncadd.s32 $0xFFFFE000  }
0x2a: {  	[tilespmem:s16], [sflag:$0x1] =	stream.indirect.gather [hbm4b:s1+s15], $0x40, s30, s15, $0xb8;
	[tilespmem:$0x18000] =	vst v63  }
0x2b: {  	_ =	swait.ge [sflag:s19], $0x2000  }
0x2c: {  	[sflag:s19] =	ssyncset.done $0x0  }
0x2d: {  	s31 =	simm.s32 $0x5080;
	[sflag:s19] =	ssyncadd.s32 $0xFFFFE000  }
0x2e: {  	[spmem:s3] =	stream.indirect.scatter.add.f32 [tilespmem:s17], [sflag:$0x3], $0x40, s31, s15, $0xb8;
	[tilespmem:$0x18000] =	vst v63  }
0x2f: {  	_ =	swait.ge [sflag:s13], $0x2000  }
0x30: {  	s24 =	simm.s32 $0x800;
	s23 =	simm.s32 $0x100;
	[sflag:s13] =	ssyncset.done $0x0  }
.LBB2_2:
0x31: {  	s25 =	sadd.s32 $0x80, s23  }
0x32: {  	[sflag:s13] =	ssyncadd.s32 $0xFFFFE000;
	s26 =	smov.u32 s24;
	s28 =	sadd.s32 $0x400, s24  }
0x33: {  	[tilespmem:s17], [sflag:$0x2] =	stream.indirect.gather [hbm4b:s1+s15], $0x40, s25, s15, $0xb8;
	[tilespmem:$0x18000] =	vst v63  }
0x34: {  	p1 =	sne.s32 s24, $0x13800;
	_ =	swait.ge [sflag:s18], $0x2000  }
0x35: {  	[sflag:s18] =	ssyncset.done $0x0  }
0x36: {  	s24 =	sadd.s32 $0x5000, s23;
	[sflag:s18] =	ssyncadd.s32 $0xFFFFE000  }
0x37: {  	[spmem:s3] =	stream.indirect.scatter.add.f32 [tilespmem:s16], [sflag:$0x3], $0x40, s24, s15, $0xb8;
	[tilespmem:$0x18000] =	vst v63  }
0x38: {  	_ =	swait.ge [sflag:s13], $0x2000  }
0x39: {  	[sflag:s13] =	ssyncset.done $0x0  }
0x3a: {  	s24 =	sadd.s32 $0x100, s23;
	[sflag:s13] =	ssyncadd.s32 $0xFFFFE000  }
0x3b: {  	[tilespmem:s16], [sflag:$0x1] =	stream.indirect.gather [hbm4b:s1+s15], $0x40, s24, s15, $0xb8;
	[tilespmem:$0x18000] =	vst v63  }
0x3c: {  	_ =	swait.ge [sflag:s19], $0x2000  }
.Ltmp0:
0x3d: {  	[sflag:s19] =	ssyncset.done $0x0;
	(pc) =	sbr.rel @p1 .LBB2_2-.Ltmp0, $4  }
0x3e: {  	s23 =	sadd.s32 $0x5080, s23;
	[sflag:s19] =	ssyncadd.s32 $0xFFFFE000  }
0x3f: {  	[spmem:s3] =	stream.indirect.scatter.add.f32 [tilespmem:s17], [sflag:$0x3], $0x40, s23, s15, $0xb8;
	[tilespmem:$0x18000] =	vst v63  }
0x40: {  	_ =	swait.ge [sflag:s13], $0x2000  }
0x41: {  	s24 =	smov.u32 s28;
	s23 =	sshra.s32 s26, $0x2;
	[sflag:s13] =	ssyncset.done $0x0  }
0x42: {  	s24 =	sadd.s32 $0x80, s23;
	[sflag:s13] =	ssyncadd.s32 $0xFFFFE000  }
0x43: {  	[tilespmem:s17], [sflag:$0x2] =	stream.indirect.gather [hbm4b:s1+s15], $0x40, s24, s15, $0xb8;
	[tilespmem:$0x18000] =	vst v63  }
0x44: {  	_ =	swait.ge [sflag:s18], $0x2000  }
0x45: {  	[sflag:s18] =	ssyncset.done $0x0  }
0x46: {  	s29 =	sadd.s32 $0x5000, s23;
	[sflag:s18] =	ssyncadd.s32 $0xFFFFE000  }
0x47: {  	[spmem:s3] =	stream.indirect.scatter.add.f32 [tilespmem:s16], [sflag:$0x3], $0x40, s29, s15, $0xb8;
	[tilespmem:$0x18000] =	vst v63  }
0x48: {  	_ =	swait.ge [sflag:s13], $0x2000  }
0x49: {  	[sflag:s13] =	ssyncset.done $0x0  }
0x4a: {  	s30 =	sadd.s32 $0x100, s23;
	[sflag:s13] =	ssyncadd.s32 $0xFFFFE000  }
0x4b: {  	[tilespmem:s16], [sflag:$0x1] =	stream.indirect.gather [hbm4b:s1+s15], $0x40, s30, s15, $0xb8;
	[tilespmem:$0x18000] =	vst v63  }
0x4c: {  	_ =	swait.ge [sflag:s19], $0x2000  }
0x4d: {  	[sflag:s19] =	ssyncset.done $0x0  }
0x4e: {  	s31 =	sadd.s32 $0x5080, s23;
	[sflag:s19] =	ssyncadd.s32 $0xFFFFE000  }
0x4f: {  	[spmem:s3] =	stream.indirect.scatter.add.f32 [tilespmem:s17], [sflag:$0x3], $0x40, s31, s15, $0xb8;
	[tilespmem:$0x18000] =	vst v63  }
0x50: {  	_ =	swait.ge [sflag:s13], $0x2000  }
0x51: {  	[sflag:s13] =	ssyncset.done $0x0  }
0x52: {  	[sflag:s13] =	ssyncadd.s32 $0xFFFFE000  }
0x53: {  	_ =	swait.ge [sflag:s18], $0x2000  }
0x54: {  	[sflag:s18] =	ssyncset.done $0x0  }
0x55: {  	[sflag:s18] =	ssyncadd.s32 $0xFFFFE000  }
0x56: {  	s23 =	simm.s32 @p0 $0x3;
	[bflag:$0x0] =	sbarrier.arrive $0xFFFF  }
0x57: {  	[hbm:s10], [sflag:s6] =	dma.local @p0 [spmem:s20], $0xC80  }
0x58: {  	s22 =	sadd.s32 $0x1, s22;
	_ =	swait.ge @p0 [sflag:s23], $0xC80  }
0x59: {  	p1 =	sne.s32 s22, s11;
	[sflag:s23] =	ssyncset.done @p0 $0x0  }
.Ltmp1:
0x5a: {  	[sflag:s23] =	ssyncadd.s32 @p0 $0xFFFFF380;
	s23 =	simm.s32 @!p0 $0x3;
	(pc) =	sbr.rel @p1 .LBB2_1-.Ltmp1, $4  }
0x5b: {  	[hbm:s9], [sflag:s6] =	dma.local @!p0 [spmem:s21], $0x1400  }
0x5c: {  	_ =	swait.ge @!p0 [sflag:s23], $0x1400  }
0x5d: {  	[sflag:s23] =	ssyncset.done @!p0 $0x0  }
0x5e: {  	[sflag:s23] =	ssyncadd.s32 @!p0 $0xFFFFEC00  }
0x5f: {  	_ =	sfence.sel $0x180000  }
0x60: {  	[bflag:$0x0] =	sbarrier.arrive $0xFFFF  }
0x61: {  	p0 =	sne.s32 s0, $0x0;
	_ =	strace $0x9000004D  }
0x62: {  	s0 =	sadd.s32 @!p0 $0x100000, s2;
	[bflag:$0x2] =	sbarrier.arrive $0xFFFF  }
0x63: {  	[sflag:s0] =	ssyncadd.tile.s32 @!p0 $0x1;
	_ =	shalt  }
.Lfunc_end2:
_tile_overlayer_lowered:
.L_overlay_start_2:
0x64: {  	(tag) =	ssettag $0x2  }
0x65: {  	s0 =	rddreg [dreg:$0x0];
	s2 =	stileid.u32  }
0x66: {  	s1 =	rddreg [dreg:$0x1];
	p0 =	sne.s32 s2, $0x0  }
0x67: {  	s3 =	rddreg [dreg:$0x2];
	[bflag:$0x3] =	sbarrier.arrive $0xFFFF;
	s2 =	simm.s32 @!p0 $0x1C03  }
0x68: {  	[timem:s3], [sflag:s2] =	dma.local @!p0 [hbm:s0], s1  }
0x69: {  	s0 =	simm.s32 @!p0 $0x3  }
0x6a: {  	_ =	swait.ge @!p0 [sflag:s0], s1  }
0x6b: {  	s1 =	ssub.s32 @!p0 $0x0, s1;
	[sflag:s0] =	ssyncset.done @!p0 $0x0  }
0x6c: {  	[sflag:s0] =	ssyncadd.s32 @!p0 s1  }
0x6d: {  	[bflag:$0x3] =	sbarrier.arrive $0xFFFF  }
0x6e: {  	_ =	shalt  }

// kernel: kernel.8.cloned.1.call-start
scs
__scs_entry_jumppad:
0x0: {  	(pc) =	sbr.rel $0x88, $3  }
0x1: {  	(tag) =	ssettag $0x0;
	lr =	simm.s32 $0x1  }
0x2: {  	[smem:$0x3F95] =	sst lr;
	_ =	strace $0xD0000000  }
0x3: {  	_ = 	snop  }
0x4: {  	_ = 	snop  }
0x5: {  	_ = 	snop  }
0x6: {  	_ = 	snop  }
0x7: {  	_ = 	snop  }
__scs_overlays_trampoline_lowered:
0x8: {  	[smem:$0x3FA4] =	sst s0  }
0x9: {  	[smem:$0x3FA5] =	sst s1  }
0xa: {  	[smem:$0x3FA6] =	sst s2  }
0xb: {  	[smem:$0x3FA7] =	sst s3  }
0xc: {  	[smem:$0x3FA8] =	sst s4  }
0xd: {  	[smem:$0x3FA9] =	sst s5  }
0xe: {  	[smem:$0x3FAA] =	sst s6  }
0xf: {  	[smem:$0x3FAB] =	sst s7  }
0x10: {  	[smem:$0x3FAC] =	sst s8  }
0x11: {  	[smem:$0x3FAD] =	sst s9;
	s0 =	simm.s32 @!p0 $0x0  }
0x12: {  	s1 =	sld [smem:$0x3F93];
	s0 =	simm.s32 @p0 $0x1  }
0x13: {  	[smem:$0x3FAE] =	sst s0;
	s0 =	simm.s32 @!p1 $0x0  }
0x14: {  	s2 =	sld [smem:$0x3F92];
	s0 =	simm.s32 @p1 $0x1  }
0x15: {  	[smem:$0x3FAF] =	sst s0;
	s0 =	simm.s32 @!p2 $0x0  }
0x16: {  	s3 =	sld [smem:$0x3FDB];
	s0 =	simm.s32 @p2 $0x1  }
0x17: {  	s4 =	simm.s32 $0x1BF5;
	[smem:$0x3FB1] =	sst s0  }
0x18: {  	s0 =	sld [smem:$0x3F94];
	_ =	swait.ge [sflag:s4], $0x0  }
0x19: {  	s7 =	sld [smem:$0x3F95]  }
0x1a: {  	s8 =	sadd.s32 $0xFFFFE003, lr  }
0x1b: {  	s9 =	sadd.s32 $0xFFFFFEF7, lr;
	s5 =	simm.s32 $0xFFFFFFFF;
	p2 =	slt.u32 s8, $0xFFFFF086  }
0x1c: {  	p1 =	slt.u32 s9, $0xF7A;
	s5 =	simm.s32 @!p2 $0x0  }
0x1d: {  	s5 =	simm.s32 @p1 $0x1;
	p0 =	seq.s32 s7, s2  }
0x1e: {  	s7 =	smul.u32 @!p0 $0xF7A, s2;
	p2 =	seq.s32 @!p0 s5, $0x0  }
0x1f: {  	s9 =	smul.u32 $0xF7A, s1;
	s8 =	simm.s32 @!p0 $0x1BF5;
	p2 =	por !p2, p0  }
0x20: {  	[sflag:s8] =	ssyncset.s32 @!p0 $0xFFFFF086;
	s6 =	sadd.s32 @!p0 s3, s7;
	s7 =	simm.s32 @!p0 $0x108  }
0x21: {  	s3 =	sadd.s32 s3, s9;
	s6 =	sadd.s32 @!p0 $0x88, s6;
	s7 =	simm.s32 @p2 $0x1082  }
0x22: {  	[simem:s7], [sflag:s8] =	dma.local @!p0 [hbm:s6], $0xF7A  }
0x23: {  	s9 =	sor.u32 $0xD0000000, s2;
	s6 =	simm.s32 $0x108;
	_ =	swait.ge @!p0 [sflag:s8], $0x0  }
0x24: {  	s3 =	sadd.s32 $0x88, s3;
	s6 =	simm.s32 @!p1 $0x1082;
	[sflag:s4] =	ssyncset.s32 $0xFFFFF086  }
0x25: {  	[simem:s6], [sflag:s4] =	dma.local [hbm:s3], $0xF7A  }
0x26: {  	[smem:$0x3F95] =	sst s1;
	(tag) =	ssettag s2;
	_ =	strace s9  }
0x27: {  	s1 =	sld [smem:$0x3FA5]  }
0x28: {  	s2 =	sld [smem:$0x3FA6]  }
0x29: {  	s4 =	sld [smem:$0x3FA8]  }
0x2a: {  	p0 =	seq.s32 s5, $0x0;
	s5 =	sld [smem:$0x3FA9]  }
0x2b: {  	s6 =	sld [smem:$0x3FAA]  }
0x2c: {  	s7 =	sld [smem:$0x3FAB]  }
0x2d: {  	s3 =	simm.s32 $0x108;
	s8 =	sld [smem:$0x3FAC]  }
0x2e: {  	s3 =	simm.s32 @!p0 $0x1082;
	s9 =	sld [smem:$0x3FAD]  }
0x2f: {  	lr =	sadd.s32 s0, s3;
	s0 =	sld [smem:$0x3FA4]  }
0x30: {  	s3 =	sld [smem:$0x3FA7]  }
0x31: {  	[smem:$0x3FB0] =	sst s10  }
0x32: {  	s10 =	sld [smem:$0x3FAE];
	_ =	sdelay $0x3  }
0x33: {  	p0 =	seq.s32 s10, $0x1;
	s10 =	sld [smem:$0x3FB0];
	_ =	sdelay $0x3  }
0x34: {  	[smem:$0x3FB0] =	sst s10  }
0x35: {  	s10 =	sld [smem:$0x3FAF];
	_ =	sdelay $0x3  }
0x36: {  	p1 =	seq.s32 s10, $0x1;
	s10 =	sld [smem:$0x3FB0];
	_ =	sdelay $0x3  }
0x37: {  	[smem:$0x3FB0] =	sst s10  }
0x38: {  	s10 =	sld [smem:$0x3FB1]  }
0x39: {  	_ = 	snop;
	(pc) =	sbr.ind lr, $3  }
0x3a: {  	_ = 	snop  }
0x3b: {  	_ = 	snop  }
0x3c: {  	p2 =	seq.s32 s10, $0x1;
	s10 =	sld [smem:$0x3FB0]  }
0x3d: {  	_ =	shalt  }
0x3e: {  	_ =	shalt  }
0x3f: {  	_ =	shalt  }
0x40: {  	_ =	shalt  }
0x41: {  	_ =	shalt  }
0x42: {  	_ =	shalt  }
0x43: {  	_ =	shalt  }
0x44: {  	_ =	shalt  }
0x45: {  	_ =	shalt  }
0x46: {  	_ =	shalt  }
0x47: {  	_ =	shalt  }
0x48: {  	_ =	shalt  }
0x49: {  	_ =	shalt  }
0x4a: {  	_ =	shalt  }
0x4b: {  	_ =	shalt  }
0x4c: {  	_ =	shalt  }
0x4d: {  	_ =	shalt  }
0x4e: {  	_ =	shalt  }
0x4f: {  	_ =	shalt  }
0x50: {  	_ =	shalt  }
0x51: {  	_ =	shalt  }
0x52: {  	_ =	shalt  }
0x53: {  	_ =	shalt  }
0x54: {  	_ =	shalt  }
0x55: {  	_ =	shalt  }
0x56: {  	_ =	shalt  }
0x57: {  	_ =	shalt  }
0x58: {  	_ =	shalt  }
0x59: {  	_ =	shalt  }
0x5a: {  	_ =	shalt  }
0x5b: {  	_ =	shalt  }
0x5c: {  	_ =	shalt  }
0x5d: {  	_ =	shalt  }
0x5e: {  	_ =	shalt  }
0x5f: {  	_ =	shalt  }
0x60: {  	_ =	shalt  }
0x61: {  	_ =	shalt  }
0x62: {  	_ =	shalt  }
0x63: {  	_ =	shalt  }
0x64: {  	_ =	shalt  }
0x65: {  	_ =	shalt  }
0x66: {  	_ =	shalt  }
0x67: {  	_ =	shalt  }
0x68: {  	_ =	shalt  }
0x69: {  	_ =	shalt  }
0x6a: {  	_ =	shalt  }
0x6b: {  	_ =	shalt  }
0x6c: {  	_ =	shalt  }
0x6d: {  	_ =	shalt  }
0x6e: {  	_ =	shalt  }
0x6f: {  	_ =	shalt  }
0x70: {  	_ =	shalt  }
0x71: {  	_ =	shalt  }
0x72: {  	_ =	shalt  }
0x73: {  	_ =	shalt  }
0x74: {  	_ =	shalt  }
0x75: {  	_ =	shalt  }
0x76: {  	_ =	shalt  }
0x77: {  	_ =	shalt  }
0x78: {  	_ =	shalt  }
0x79: {  	_ =	shalt  }
0x7a: {  	_ =	shalt  }
0x7b: {  	_ =	shalt  }
0x7c: {  	_ =	shalt  }
0x7d: {  	_ =	shalt  }
0x7e: {  	_ =	shalt  }
0x7f: {  	_ =	shalt  }
0x80: {  	_ =	shalt  }
0x81: {  	_ =	shalt  }
0x82: {  	_ =	shalt  }
0x83: {  	_ =	shalt  }
0x84: {  	_ =	shalt  }
0x85: {  	_ =	shalt  }
0x86: {  	_ =	shalt  }
0x87: {  	_ =	shalt  }
.Lfunc_end0:
.L_simem_size_0:
called_computation_lowered:
.L_overlay_start_0:
0x88: {  	s2 =	sld [smem:$0x3FD9]  }
0x89: {  	s3 =	sld [smem:$0x3FFE];
	_ =	sdelay $0x1  }
0x8a: {  	s1 =	srdreg.scid  }
0x8b: {  	s0 =	sand.u32 $0x1, s1  }
0x8c: {  	s17 =	sshll.u32 s0, $0xA;
	s2 =	sadd.s32 s3, s2  }
0x8d: {  	s2 =	sadd.s32 s2, s17  }
0x8e: {  	[smem:$0x3FBC] =	sst s2  }
0x8f: {  	_ = 	snop  }
0x90: {  	s2 =	sld [smem:$0x3FD0];
	(tm) =	ssettm $0x1  }
0x91: {  	s18 =	sld [smem:$0x3FFB];
	_ =	sdelay $0x3  }
0x92: {  	_ =	strace s18  }
0x93: {  	s3 =	sld [smem:$0x3FFC];
	_ =	sdelay $0x3  }
0x94: {  	_ =	strace s3  }
0x95: {  	s3 =	sld [smem:$0x3FFD];
	_ =	sdelay $0x3  }
0x96: {  	_ =	strace s3  }
0x97: {  	_ =	strace $0x8FFFFFFF  }
0x98: {  	s19 =	sld [smem:$0x3FDB];
	_ =	sdelay $0x1  }
0x99: {  	s4 =	simm.s32 $_scs_section_size  }
0x9a: {  	s5 =	simm.s32 $_size__tile_overlayer_lowered;
	s6 =	simm.s32 $_tile_overlayer_lowered  }
0x9b: {  	s22 =	simm.s32 $0x1BFF;
	s21 =	sshll.u32 s6, $0x1;
	s3 =	sadd.s32 s4, s19  }
0x9c: {  	s7 =	simm.s32 $0x0;
	s20 =	sshll.u32 s5, $0x1;
	s5 =	sadd.s32 s21, s3  }
0x9d: {  	[timem:s7], [sflag:s22] =	dma.local [hbm:s5], s20  }
0x9e: {  	_ =	swait.ge [sflag:s22], s20  }
0x9f: {  	s4 =	ssub.s32 $0x0, s20;
	[sflag:s22] =	ssyncset.done $0x0  }
0xa0: {  	[sflag:s22] =	ssyncadd.s32 s4;
	_ =	sdelay $0x1  }
0xa1: {  	s23 =	simm.s32 $0x1B8B  }
0xa2: {  	_ =	swait.ge [sflag:s23], $0x1  }
0xa3: {  	[sflag:s23] =	ssyncset.done $0x0  }
0xa4: {  	s25 =	simm.s32 $0x1B8E;
	s24 =	sld [smem:$0x3FFE];
	[sflag:s23] =	ssyncadd.s32 $0xFFFFFFFF  }
0xa5: {  	s26 =	simm.s32 $execute0_lowered;
	[smem:$0x3FD2] =	sst s25  }
0xa6: {  	s5 =	sshll.u32 s26, $0x1;
	_ =	strace $0x80000046;
	[dreg:$0x1] =	wrdreg $0xFFFFFFFF  }
0xa7: {  	s28 =	simm.s32 $_size_execute0_lowered;
	s3 =	sadd.s32 s3, s5;
	[dreg:$0x0] =	wrdreg $0x0  }
0xa8: {  	s5 =	sshll.u32 s28, $0x1;
	[dreg:$0x2] =	wrdreg s3  }
0xa9: {  	[dreg:$0x3] =	wrdreg s5  }
0xaa: {  	[dreg:$0x4] =	wrdreg $0xC0  }
0xab: {  	_ =	task [dreg:s7], $0x5FFFF  }
0xac: {  	[dreg:$0x1] =	wrdreg $0xFFFFFFFF  }
0xad: {  	[dreg:$0x0] =	wrdreg $0x60  }
0xae: {  	[dreg:$0x2] =	wrdreg s24  }
0xaf: {  	[dreg:$0x3] =	wrdreg s2  }
0xb0: {  	[dreg:$0x4] =	wrdreg $0x54000  }
0xb1: {  	[dreg:$0x5] =	wrdreg $0x9  }
0xb2: {  	_ =	task.clear_ibuf [dreg:s7], $0x6FFFF;
	_ =	strace $0x90000046  }
0xb3: {  	s29 =	simm.s32 $0x9;
	_ =	strace $0x80000048  }
0xb4: {  	_ =	swait.ge [sflag:s29], $0x1  }
0xb5: {  	[sflag:s29] =	ssyncadd.s32 $0xFFFFFFFF  }
0xb6: {  	_ =	strace $0x90000048  }
0xb7: {  	_ =	sfence  }
0xb8: {  	s30 =	sld [smem:$0x0];
	_ =	sdelay $0x2  }
0xb9: {  	s31 =	sshll.u32 s1, $0xD;
	s1 =	sshrl.u32 s1, $0x2  }
0xba: {  	s3 =	sand.u32 $0x4000, s31;
	s1 =	sadd.s32 s1, s30  }
0xbb: {  	s0 =	sor.u32 s3, s0;
	s1 =	sshll.u32 s1, $0x11  }
0xbc: {  	s0 =	sor.u32 s1, s0  }
0xbd: {  	s0 =	sadd.s32 $0x8F2B, s0  }
0xbe: {  	[sflag:s0] =	ssyncadd.remote.s32 $0x1  }
0xbf: {  	_ =	sfence.sel $0xFFFF  }
0xc0: {  	[dreg:$0x0] =	wrdreg $0xFFFFFFFF;
	(pc) =	sbr.abs _section_cstart, $3  }
0xc1: {  	[dreg:$0x1] =	wrdreg $0xFFFFFFFF  }
0xc2: {  	_ =	task.clear_ibuf [dreg:s7], $0x2FFFF;
	_ =	strace $0x9FFFFFFF  }
0xc3: {  	(tm) =	ssettm $0x7FFFFFFF  }
tec
execute0_lowered:
.L_overlay_start_1:
0x0: {  	(tag) =	ssettag $0x1  }
0x1: {  	s4 =	rddreg [dreg:$0x0]  }
0x2: {  	s1 =	srdreg.scid;
	s7 =	rddreg [dreg:$0x1]  }
0x3: {  	s0 =	stileid.u32;
	s2 =	rddreg [dreg:$0x2];
	s3 =	simm.s32 $0x0  }
0x4: {  	s13 =	simm.s32 $0x80;
	s16 =	simm.s32 $0x0;
	s5 =	smul.u32 $0x5000, s0  }
0x5: {  	s6 =	sand.u32 $0x1, s1;
	s1 =	rddreg [dreg:$0x3];
	s11 =	smul.u32 $0x280, s0  }
0x6: {  	[smem:$0x7FF] =	sst s3;
	s30 =	sshll.u32 s0, $0x6;
	s8 =	smul.u32 $0x50000, s6  }
0x7: {  	s14 =	sadd.s32 $0x12C00, s2;
	p0 =	seq.s32 s0, $0xF;
	s29 =	smul.u32 $0x13880, s6  }
0x8: {  	_ =	strace $0x80000047;
	s9 =	ssub.s32 $0x2, s6;
	s12 =	smul.u32 $0x2710, s6  }
0x9: {  	s14 =	sshrl.u32 @p0 s14, $0x3;
	s10 =	sshrl.u32 s9, $0x1;
	s31 =	sadd.s32 s7, s11  }
0xa: {  	s11 =	simm.s32 $0x1;
	s8 =	sadd.s32 s5, s8;
	s9 =	ssub.s32 s9, s10  }
0xb: {  	s5 =	sshrl.u32 s5, $0x2;
	s10 =	sshrl.u32 s29, $0x3;
	s8 =	sshrl.u32 s8, $0x3  }
0xc: {  	s15 =	sadd.s32 s5, s2;
	s5 =	sor.u32 $0x1C01, s30;
	s10 =	sadd.s32 s7, s10  }
0xd: {  	s7 =	sadd.s32 s12, s31;
	s9 =	smax.u32 s9, $0x1;
	s8 =	sadd.s32 s8, s4  }
0xe: {  	s12 =	simm.s32 $0x5000;
	s4 =	sadd.s32 $0x16200, s4;
	s6 =	sadd.s32 $0x2200, s8  }
0xf: {  	s8 =	sadd.s32 $0x2580, s10;
	s10 =	sshrl.u32 s15, $0x3;
	s15 =	sshrl.u32 @!p0 s15, $0x3  }
.LBB2_1:
0x10: {  	[spmem:s10], [sflag:s5] =	dma.local [hbm:s4], $0x280  }
0x11: {  	_ =	swait.ge [sflag:s11], $0x280  }
0x12: {  	[sflag:s11] =	ssyncset.done $0x0  }
0x13: {  	[sflag:s11] =	ssyncadd.s32 $0xFFFFFD80  }
0x14: {  	[tilespmem:s3], [sflag:$0x1] =	stream.linear.gather [hbm4b:s6+s3], $0x5000, $0x38;
	[tilespmem:$0x6800] =	vst v63  }
0x15: {  	_ =	swait.ge [sflag:s11], $0x5000  }
0x16: {  	[sflag:s11] =	ssyncset.done $0x0  }
0x17: {  	[sflag:s11] =	ssyncadd.s32 $0xFFFFB000  }
0x18: {  	[tilespmem:s12], [sflag:$0x1] =	stream.linear.gather [hbm4b:s4+s3], $0x400, $0x38;
	[tilespmem:$0x6800] =	vst v63  }
0x19: {  	_ =	swait.ge [sflag:s11], $0x400  }
0x1a: {  	[sflag:s11] =	ssyncset.done $0x0  }
0x1b: {  	[sflag:s11] =	ssyncadd.s32 $0xFFFFFC00  }
0x1c: {  	s17 =	simm.s32 $0x0;
	[bflag:$0x0] =	sbarrier.arrive $0xFFFF  }
0x1d: {  	[spmem:s2] =	stream.indirect.scatter.add.f32 [tilespmem:s12], [sflag:$0x1], $0x8, s17, s13, $0xb8;
	[tilespmem:$0x6800] =	vst v63  }
0x1e: {  	_ =	swait.ge [sflag:s11], $0x400  }
0x1f: {  	s17 =	simm.s32 $0x200;
	[sflag:s11] =	ssyncset.done $0x0  }
.LBB2_2:
0x20: {  	s18 =	sshra.s32 s17, $0x2;
	[sflag:s11] =	ssyncadd.s32 $0xFFFFFC00;
	p1 =	sne.s32 s17, $0x13A00  }
0x21: {  	[spmem:s2] =	stream.indirect.scatter.add.f32 [tilespmem:s12], [sflag:$0x1], $0x8, s18, s13, $0xb8;
	[tilespmem:$0x6800] =	vst v63  }
.Ltmp0:
0x22: {  	_ = 	snop;
	(pc) =	sbr.rel @p1 .LBB2_2-.Ltmp0, $4  }
0x23: {  	_ = 	snop  }
0x24: {  	s17 =	sadd.s32 $0x200, s17  }
0x25: {  	_ =	swait.ge [sflag:s11], $0x400  }
0x26: {  	[sflag:s11] =	ssyncset.done $0x0  }
0x27: {  	[sflag:s11] =	ssyncadd.s32 $0xFFFFFC00  }
0x28: {  	s17 =	simm.s32 @p0 $0x1;
	[bflag:$0x0] =	sbarrier.arrive $0xFFFF  }
0x29: {  	[hbm:s8], [sflag:s5] =	dma.local @p0 [spmem:s14], $0x190  }
0x2a: {  	s16 =	sadd.s32 $0x1, s16;
	_ =	swait.ge @p0 [sflag:s17], $0x190  }
0x2b: {  	p1 =	sne.s32 s16, s9;
	[sflag:s17] =	ssyncset.done @p0 $0x0  }
.Ltmp1:
0x2c: {  	[sflag:s17] =	ssyncadd.s32 @p0 $0xFFFFFE70;
	s17 =	simm.s32 @!p0 $0x1;
	(pc) =	sbr.rel @p1 .LBB2_1-.Ltmp1, $4  }
0x2d: {  	[hbm:s7], [sflag:s5] =	dma.local @!p0 [spmem:s15], $0x280  }
0x2e: {  	_ =	swait.ge @!p0 [sflag:s17], $0x280  }
0x2f: {  	[sflag:s17] =	ssyncset.done @!p0 $0x0  }
0x30: {  	[sflag:s17] =	ssyncadd.s32 @!p0 $0xFFFFFD80  }
0x31: {  	_ =	sfence.sel $0x180000  }
0x32: {  	[bflag:$0x0] =	sbarrier.arrive $0xFFFF  }
0x33: {  	p0 =	sne.s32 s0, $0x0;
	_ =	strace $0x90000047  }
0x34: {  	s0 =	sadd.s32 @!p0 $0x100000, s1;
	[bflag:$0x2] =	sbarrier.arrive $0xFFFF  }
0x35: {  	[sflag:s0] =	ssyncadd.tile.s32 @!p0 $0x1;
	_ =	shalt  }
.Lfunc_end2:
_tile_overlayer_lowered:
.L_overlay_start_2:
0x36: {  	(tag) =	ssettag $0x2  }
0x37: {  	s0 =	rddreg [dreg:$0x0];
	s2 =	stileid.u32  }
0x38: {  	s1 =	rddreg [dreg:$0x1];
	p0 =	sne.s32 s2, $0x0  }
0x39: {  	s3 =	rddreg [dreg:$0x2];
	[bflag:$0x3] =	sbarrier.arrive $0xFFFF;
	s2 =	simm.s32 @!p0 $0x1C01  }
0x3a: {  	[timem:s3], [sflag:s2] =	dma.local @!p0 [hbm:s0], s1  }
0x3b: {  	s0 =	simm.s32 @!p0 $0x1  }
0x3c: {  	_ =	swait.ge @!p0 [sflag:s0], s1  }
0x3d: {  	s1 =	ssub.s32 @!p0 $0x0, s1;
	[sflag:s0] =	ssyncset.done @!p0 $0x0  }
0x3e: {  	[sflag:s0] =	ssyncadd.s32 @!p0 s1  }
0x3f: {  	[bflag:$0x3] =	sbarrier.arrive $0xFFFF  }
0x40: {  	_ =	shalt  }

</sc_bundles>
